<compile_context>
chip_gen: v7x
topology: tpu7x:2x2x1
jax: 0.10.2.dev20260603
libtpu: 0.0.44.dev20260713+nightly
codegen_flags: <defaults>
</compile_context>

<pallas_src>
import functools

import jax
import jax.numpy as jnp
from jax import lax
from jax.experimental import pallas as pl
from jax.experimental.pallas import tpu as pltpu
from jax.experimental.pallas import tpu_sc as plsc

_N = 10000
_E = 160000
_DIN = 128
_NW = 32
_PER_W = _E // _NW
_CH = 112
_NFULL = 44
_TAIL = _PER_W - _NFULL * _CH
_ZROWS = 625



def _sc_gather(table, idx, d):
    dt = table.dtype
    mesh = plsc.VectorSubcoreMesh(core_axis_name="c", subcore_axis_name="s")

    @functools.partial(
        pl.kernel,
        out_type=jax.ShapeDtypeStruct((_E, d), dt),
        mesh=mesh,
        compiler_params=pltpu.CompilerParams(use_tc_tiling_on_sc=False),
        scratch_types=[
            [pltpu.VMEM((_CH,), jnp.int32)] * 2,
            [pltpu.VMEM((_CH, d), dt)] * 2,
            pltpu.VMEM((_TAIL,), jnp.int32),
            pltpu.VMEM((_TAIL, d), dt),
            [pltpu.SemaphoreType.DMA] * 2,
            [pltpu.SemaphoreType.DMA] * 2,
            [pltpu.SemaphoreType.DMA] * 2,
        ],
    )
    def k(table_h, idx_h, out_h, idx_b, rows_b, idx_t, rows_t,
          sem_i, sem_g, sem_w):
        wid = lax.axis_index("s") * 2 + lax.axis_index("c")
        base = wid * _PER_W

        def start_idx(j, b):
            pltpu.async_copy(idx_h.at[pl.ds(base + j * _CH, _CH)],
                             idx_b[b], sem_i[b])

        def wait_idx(j, b):
            pltpu.make_async_copy(idx_h.at[pl.ds(base + j * _CH, _CH)],
                                  idx_b[b], sem_i[b]).wait()

        def start_write(j, b):
            pltpu.async_copy(rows_b[b], out_h.at[pl.ds(base + j * _CH, _CH)],
                             sem_w[b])

        def wait_write(j, b):
            pltpu.make_async_copy(rows_b[b],
                                  out_h.at[pl.ds(base + j * _CH, _CH)],
                                  sem_w[b]).wait()

        start_idx(0, 0)
        start_idx(1, 1)

        def body(p, carry):
            for b in range(2):
                j = 2 * p + b
                wait_idx(j, b)

                @pl.when(p > 0)
                def _():
                    wait_write(j - 2, b)

                pltpu.async_copy(table_h.at[idx_b[b]], rows_b[b],
                                 sem_g[b]).wait()
                start_write(j, b)

                @pl.when(p < _NFULL // 2 - 1)
                def _():
                    start_idx(j + 2, b)
            return carry

        lax.fori_loop(0, _NFULL // 2, body, 0)
        wait_write(_NFULL - 2, 0)
        wait_write(_NFULL - 1, 1)
        off = base + _NFULL * _CH
        pltpu.sync_copy(idx_h.at[pl.ds(off, _TAIL)], idx_t)
        pltpu.async_copy(table_h.at[idx_t], rows_t, sem_g[0]).wait()
        pltpu.sync_copy(rows_t, out_h.at[pl.ds(off, _TAIL)])

    return k(table, idx)


def _sc_scatter(msg, dst, zrows):
    mesh = plsc.VectorSubcoreMesh(core_axis_name="c", subcore_axis_name="s")

    @functools.partial(
        pl.kernel,
        out_type=jax.ShapeDtypeStruct((2, _N, 16), jnp.float32),
        mesh=mesh,
        compiler_params=pltpu.CompilerParams(use_tc_tiling_on_sc=False),
        scratch_types=[
            [pltpu.VMEM((_CH,), jnp.int32)] * 2,
            [pltpu.VMEM((_CH, 16), jnp.float32)] * 2,
            pltpu.VMEM((_TAIL,), jnp.int32),
            pltpu.VMEM((_TAIL, 16), jnp.float32),
            pltpu.VMEM_SHARED((_N, 16), jnp.float32),
            [pltpu.SemaphoreType.DMA] * 2,
            [pltpu.SemaphoreType.DMA] * 2,
        ],
    )
    def k(msg_h, dst_h, z_h, out_h, idx_b, msg_b, idx_t, msg_t, agg,
          sem_i, sem_m):
        cid = lax.axis_index("c")
        sid = lax.axis_index("s")
        pltpu.sync_copy(z_h, agg.at[pl.ds(sid * _ZROWS, _ZROWS)])
        plsc.subcore_barrier()

        wid = sid * 2 + cid
        base = wid * _PER_W

        def start_load(j, b):
            off = base + j * _CH
            pltpu.async_copy(dst_h.at[pl.ds(off, _CH)], idx_b[b], sem_i[b])
            pltpu.async_copy(msg_h.at[pl.ds(off, _CH)], msg_b[b], sem_m[b])

        def wait_load(j, b):
            off = base + j * _CH
            pltpu.make_async_copy(dst_h.at[pl.ds(off, _CH)], idx_b[b],
                                  sem_i[b]).wait()
            pltpu.make_async_copy(msg_h.at[pl.ds(off, _CH)], msg_b[b],
                                  sem_m[b]).wait()

        start_load(0, 0)
        start_load(1, 1)

        def body(p, carry):
            for b in range(2):
                j = 2 * p + b
                wait_load(j, b)
                pltpu.sync_copy(msg_b[b], agg.at[idx_b[b]], add=True)

                @pl.when(p < _NFULL // 2 - 1)
                def _():
                    start_load(j + 2, b)
            return carry

        lax.fori_loop(0, _NFULL // 2, body, 0)
        off = base + _NFULL * _CH
        pltpu.sync_copy(dst_h.at[pl.ds(off, _TAIL)], idx_t)
        pltpu.sync_copy(msg_h.at[pl.ds(off, _TAIL)], msg_t)
        pltpu.sync_copy(msg_t, agg.at[idx_t], add=True)

        plsc.subcore_barrier()

        @pl.when(sid == 0)
        def _():
            pltpu.sync_copy(agg, out_h.at[cid])

    return k(msg, dst, zrows)



def _edge1_body(ea_ref, xj_ref, w1r_ref, b1r_ref, a1_ref, b2r_ref, s1_ref,
                out_ref):
    ea = ea_ref[...]
    hrep = jnp.maximum(ea * w1r_ref[...] + b1r_ref[...], 0.0)
    xj = xj_ref[...]
    g = jnp.dot(xj, a1_ref[...], preferred_element_type=jnp.float32)
    prod = hrep * g
    msg = jnp.dot(prod, s1_ref[...], preferred_element_type=jnp.float32)
    msg = msg + jnp.dot(xj, b2r_ref[...],
                        preferred_element_type=jnp.float32)
    k = msg.shape[0]
    col = lax.broadcasted_iota(jnp.int32, (k, 16), 1)
    out_ref[...] = msg + (col == 8).astype(jnp.float32)


def _tc_edge1(ea, xj, w1rep, b1rep, a1, b2r, s1):
    kk = 4000
    grid = _E // kk
    return pl.pallas_call(
        _edge1_body,
        grid=(grid,),
        in_specs=[
            pl.BlockSpec((kk, 1), lambda i: (i, 0)),
            pl.BlockSpec((kk, _DIN), lambda i: (i, 0)),
            pl.BlockSpec((1, 512), lambda i: (0, 0)),
            pl.BlockSpec((1, 512), lambda i: (0, 0)),
            pl.BlockSpec((_DIN, 512), lambda i: (0, 0)),
            pl.BlockSpec((_DIN, 16), lambda i: (0, 0)),
            pl.BlockSpec((512, 16), lambda i: (0, 0)),
        ],
        out_specs=pl.BlockSpec((kk, 16), lambda i: (i, 0)),
        out_shape=jax.ShapeDtypeStruct((_E, 16), jnp.float32),
    )(ea, xj, w1rep, b1rep, a1, b2r, s1)


def _edge2_body(ea_ref, hj_ref, w1_ref, b1_ref, w2p_ref, b2p_ref, r2_ref,
                s2_ref, out_ref):
    ea = ea_ref[...]
    h2 = jnp.maximum(ea * w1_ref[...] + b1_ref[...], 0.0)
    w2p = jnp.dot(h2, w2p_ref[...],
                  preferred_element_type=jnp.float32) + b2p_ref[...]
    htile = jnp.dot(hj_ref[...], r2_ref[...],
                    preferred_element_type=jnp.float32)
    prod = w2p * htile
    msg = jnp.dot(prod, s2_ref[...], preferred_element_type=jnp.float32)
    out_ref[...] = msg


def _tc_edge2(ea, hj, w1, b1, w2p, b2p, r2, s2):
    kk = 8000
    grid = _E // kk
    return pl.pallas_call(
        _edge2_body,
        grid=(grid,),
        in_specs=[
            pl.BlockSpec((kk, 1), lambda i: (i, 0)),
            pl.BlockSpec((kk, 16), lambda i: (i, 0)),
            pl.BlockSpec((1, 64), lambda i: (0, 0)),
            pl.BlockSpec((1, 64), lambda i: (0, 0)),
            pl.BlockSpec((64, 64), lambda i: (0, 0)),
            pl.BlockSpec((1, 64), lambda i: (0, 0)),
            pl.BlockSpec((16, 64), lambda i: (0, 0)),
            pl.BlockSpec((64, 16), lambda i: (0, 0)),
        ],
        out_specs=pl.BlockSpec((kk, 16), lambda i: (i, 0)),
        out_shape=jax.ShapeDtypeStruct((_E, 16), jnp.float32),
    )(ea, hj, w1, b1, w2p, b2p, r2, s2)


def _combine1_body(parts_ref, x_ref, rw_ref, b_ref, h1_ref, cnt_ref):
    sums = parts_ref[0] + parts_ref[1]
    cnt = jnp.maximum(sums[:, 8:9], 1.0)
    agg = sums[:, :8] / cnt
    root = jnp.dot(x_ref[...], rw_ref[...], preferred_element_type=jnp.float32)
    h1 = jnp.maximum(agg + root + b_ref[...], 0.0)
    h1_ref[...] = jnp.concatenate([h1, jnp.zeros((_N, 8), jnp.float32)],
                                  axis=1)
    cnt_ref[...] = cnt


def _tc_combine1(parts, x, rootw, bias):
    return pl.pallas_call(
        _combine1_body,
        out_shape=(jax.ShapeDtypeStruct((_N, 16), jnp.float32),
                   jax.ShapeDtypeStruct((_N, 1), jnp.float32)),
    )(parts, x, rootw, bias)


def _final_body(parts_ref, h1_ref, cnt_ref, batch_ref, rw_ref, b_ref,
                p1w_ref, p1b_ref, p2w_ref, p2b_ref, out_ref):
    sums = parts_ref[0][:, :8] + parts_ref[1][:, :8]
    agg = sums / cnt_ref[...]
    root = jnp.dot(h1_ref[:, :8], rw_ref[...],
                   preferred_element_type=jnp.float32)
    h2 = jnp.maximum(agg + root + b_ref[...], 0.0)
    gids = lax.broadcasted_iota(jnp.int32, (16, _N), 0)
    oht = (batch_ref[...] == gids).astype(jnp.float32)
    hh = jnp.concatenate(
        [h2, jnp.ones((_N, 1), jnp.float32), jnp.zeros((_N, 7), jnp.float32)],
        axis=1)
    pooled_all = jnp.dot(oht, hh, preferred_element_type=jnp.float32)
    cnt = jnp.maximum(pooled_all[:, 8:9], 1.0)
    pooled = pooled_all[:, :8] / cnt
    z = jnp.maximum(jnp.dot(pooled, p1w_ref[...],
                            preferred_element_type=jnp.float32)
                    + p1b_ref[...], 0.0)
    out_ref[...] = jnp.dot(z, p2w_ref[...],
                           preferred_element_type=jnp.float32) + p2b_ref[...]


def _tc_final(parts, h1pad, cnt, batch2d, rootw, bias, p1w, p1b, p2w, p2b):
    return pl.pallas_call(
        _final_body,
        out_shape=jax.ShapeDtypeStruct((16, 4), jnp.float32),
    )(parts, h1pad, cnt, batch2d, rootw, bias, p1w, p1b, p2w, p2b)



def kernel(x, edge_index, edge_attr, batch,
           nn1_W1, nn1_b1, nn1_W2, nn1_b2, conv1_root_W, conv1_bias,
           nn2_W1, nn2_b1, nn2_W2, nn2_b2, conv2_root_W, conv2_bias,
           proj1_W, proj1_b, proj2_W, proj2_b):
    src = edge_index[0]
    dst = edge_index[1]
    ea = edge_attr.reshape(_E, 1)

    a1 = nn1_W2.reshape(64, _DIN, 8).transpose(1, 2, 0).reshape(_DIN, 512)
    w1rep = jnp.tile(nn1_W1[0], 8).reshape(1, 512)
    b1rep = jnp.tile(nn1_b1, 8).reshape(1, 512)
    b2r = jnp.pad(nn1_b2.reshape(_DIN, 8), ((0, 0), (0, 8)))
    oid = jnp.arange(512) // 64
    s1 = (oid[:, None] == jnp.arange(16)[None, :]).astype(jnp.float32)
    w22p = nn2_W2.reshape(64, 8, 8).transpose(0, 2, 1).reshape(64, 64)
    b22p = nn2_b2.reshape(8, 8).transpose().reshape(1, 64)
    iid = jnp.arange(64) % 8
    r2 = ((jnp.arange(16)[:, None] == iid[None, :])
          & (jnp.arange(16)[:, None] < 8)).astype(jnp.float32)
    oid2 = jnp.arange(64) // 8
    s2 = (oid2[:, None] == jnp.arange(16)[None, :]).astype(jnp.float32)
    zrows = jnp.zeros((_ZROWS, 16), jnp.float32)
    batch2d = batch.reshape(1, _N)

    xj = _sc_gather(x, src, _DIN)
    msg1 = _tc_edge1(ea, xj, w1rep, b1rep, a1, b2r, s1)
    parts1 = _sc_scatter(msg1, dst, zrows)
    h1pad, cnt = _tc_combine1(parts1, x, conv1_root_W,
                              conv1_bias.reshape(1, 8))
    h1j = _sc_gather(h1pad, src, 16)
    msg2 = _tc_edge2(ea, h1j, nn2_W1, nn2_b1.reshape(1, 64), w22p, b22p,
                     r2, s2)
    parts2 = _sc_scatter(msg2, dst, zrows)
    return _tc_final(parts2, h1pad, cnt, batch2d, conv2_root_W,
                     conv2_bias.reshape(1, 8), proj1_W,
                     proj1_b.reshape(1, 128), proj2_W, proj2_b.reshape(1, 4))

# --- scband reference (transcript-rebuilt; emitter-appended) ---
"""Pipeline reference for scband-nnconv-model-70111046140168 (READ-ONLY COPY).

The authoritative reference and input builder live on the scoring server;
editing this copy changes nothing except your own understanding.
"""

import jax, jax.numpy as jnp
import numpy as np

N_NODES = 10000
N_EDGES = 160000
D_IN = 128
H1 = 8
H2 = 8
D_OUT = 8
NN_CH = 64
NUM_GRAPHS = 16


def setup_inputs(seed: int = 0) -> dict:
    key = jax.random.key(seed)
    ks = jax.random.split(key, 24)
    inp = {}
    inp['x'] = jax.random.normal(ks[0], (N_NODES, D_IN), dtype=jnp.float32)
    inp['edge_index'] = jax.random.randint(ks[1], (2, N_EDGES), 0, N_NODES, dtype=jnp.int32)
    inp['edge_attr'] = jax.random.uniform(ks[2], (N_EDGES, 1), dtype=jnp.float32)
    inp['batch'] = jnp.sort(jax.random.randint(ks[3], (N_NODES,), 0, NUM_GRAPHS, dtype=jnp.int32))
    # edge-NN 1: Linear(1, 64) -> ReLU -> Linear(64, 128*8)
    inp['nn1_W1'] = jax.random.normal(ks[4], (1, NN_CH), dtype=jnp.float32) * 0.5
    inp['nn1_b1'] = jax.random.normal(ks[5], (NN_CH,), dtype=jnp.float32) * 0.1
    inp['nn1_W2'] = jax.random.normal(ks[6], (NN_CH, D_IN * H1), dtype=jnp.float32) * (1.0 / np.sqrt(NN_CH))
    inp['nn1_b2'] = jax.random.normal(ks[7], (D_IN * H1,), dtype=jnp.float32) * 0.02
    inp['conv1_root_W'] = jax.random.normal(ks[8], (D_IN, H1), dtype=jnp.float32) * (1.0 / np.sqrt(D_IN))
    inp['conv1_bias'] = jnp.zeros((H1,), dtype=jnp.float32)
    # edge-NN 2: Linear(1, 64) -> ReLU -> Linear(64, 8*8)
    inp['nn2_W1'] = jax.random.normal(ks[9], (1, NN_CH), dtype=jnp.float32) * 0.5
    inp['nn2_b1'] = jax.random.normal(ks[10], (NN_CH,), dtype=jnp.float32) * 0.1
    inp['nn2_W2'] = jax.random.normal(ks[11], (NN_CH, H2 * D_OUT), dtype=jnp.float32) * (1.0 / np.sqrt(NN_CH))
    inp['nn2_b2'] = jax.random.normal(ks[12], (H2 * D_OUT,), dtype=jnp.float32) * 0.02
    inp['conv2_root_W'] = jax.random.normal(ks[13], (H2, D_OUT), dtype=jnp.float32) * (1.0 / np.sqrt(H2))
    inp['conv2_bias'] = jnp.zeros((D_OUT,), dtype=jnp.float32)
    inp['proj1_W'] = jax.random.normal(ks[14], (D_OUT, 128), dtype=jnp.float32) * (1.0 / np.sqrt(D_OUT))
    inp['proj1_b'] = jnp.zeros((128,), dtype=jnp.float32)
    inp['proj2_W'] = jax.random.normal(ks[15], (128, 4), dtype=jnp.float32) * (1.0 / np.sqrt(128.0))
    inp['proj2_b'] = jnp.zeros((4,), dtype=jnp.float32)
    return inp


def _nnconv_mean(x, src, dst, edge_attr, W1, b1, W2, b2, root_W, bias, in_ch, out_ch, num_nodes):
    # edge NN -> per-edge weight matrix [E, in_ch, out_ch]
    h = jnp.maximum(edge_attr @ W1 + b1, 0.0)
    w_edge = (h @ W2 + b2).reshape(-1, in_ch, out_ch)
    # message: x_j (source node feats) transformed by per-edge weight
    x_j = jnp.take(x, src, axis=0)
    msg = jnp.einsum('ei,eio->eo', x_j, w_edge)
    # mean aggregation at destination nodes
    agg = jax.ops.segment_sum(msg, dst, num_segments=num_nodes)
    cnt = jax.ops.segment_sum(jnp.ones((src.shape[0],), dtype=msg.dtype), dst, num_segments=num_nodes)
    agg = agg / jnp.clip(cnt, 1.0, None)[:, None]
    # root weight + bias (PyG NNConv defaults: root_weight=True, bias=True)
    return agg + x @ root_W + bias


def _global_mean_pool(x, batch, num_graphs):
    s = jax.ops.segment_sum(x, batch, num_segments=num_graphs)
    c = jax.ops.segment_sum(jnp.ones((x.shape[0],), dtype=x.dtype), batch, num_segments=num_graphs)
    return s / jnp.clip(c, 1.0, None)[:, None]


def reference(x, edge_index, edge_attr, batch,
              nn1_W1, nn1_b1, nn1_W2, nn1_b2, conv1_root_W, conv1_bias,
              nn2_W1, nn2_b1, nn2_W2, nn2_b2, conv2_root_W, conv2_bias,
              proj1_W, proj1_b, proj2_W, proj2_b):
    src = edge_index[0]
    dst = edge_index[1]
    ea = edge_attr.reshape(-1, 1)
    h = _nnconv_mean(x, src, dst, ea, nn1_W1, nn1_b1, nn1_W2, nn1_b2,
                     conv1_root_W, conv1_bias, D_IN, H1, N_NODES)
    h = jnp.maximum(h, 0.0)
    h = _nnconv_mean(h, src, dst, ea, nn2_W1, nn2_b1, nn2_W2, nn2_b2,
                     conv2_root_W, conv2_bias, H2, D_OUT, N_NODES)
    h = jnp.maximum(h, 0.0)
    out = _global_mean_pool(h, batch, NUM_GRAPHS)
    out = out @ proj1_W + proj1_b
    out = jnp.maximum(out, 0.0)
    out = out @ proj2_W + proj2_b
    return out

if __name__ == "__main__":
    import jax
    _d = setup_inputs()
    print(jax.jit(kernel)(*tuple(_d.values())))

</pallas_src>

<mosaic_0001>
#map = affine_map<(d0, d1) -> (0, 0)>
#map1 = affine_map<(d0, d1) -> (0)>
#map2 = affine_map<(d0, d1) -> (0, 0, 0)>
module attributes {stable_mosaic.version = 14 : i64} {
  func.func @k(%arg0: i32, %arg1: i32, %arg2: memref<160000x16xf32, #tpu.memory_space<hbm>>, %arg3: memref<160000xi32, #tpu.memory_space<hbm>>, %arg4: memref<625x16xf32, #tpu.memory_space<hbm>>, %arg5: memref<2x10000x16xf32, #tpu.memory_space<hbm>>, %arg6: memref<112xi32, #tpu.memory_space<vmem>>, %arg7: memref<112xi32, #tpu.memory_space<vmem>>, %arg8: memref<112x16xf32, #tpu.memory_space<vmem>>, %arg9: memref<112x16xf32, #tpu.memory_space<vmem>>, %arg10: memref<72xi32, #tpu.memory_space<vmem>>, %arg11: memref<72x16xf32, #tpu.memory_space<vmem>>, %arg12: memref<10000x16xf32, #tpu.memory_space<vmem_shared>>, %arg13: memref<!tpu.dma_semaphore, #tpu.memory_space<semaphore_mem>>, %arg14: memref<!tpu.dma_semaphore, #tpu.memory_space<semaphore_mem>>, %arg15: memref<!tpu.dma_semaphore, #tpu.memory_space<semaphore_mem>>, %arg16: memref<!tpu.dma_semaphore, #tpu.memory_space<semaphore_mem>>) attributes {dimension_semantics = [#tpu.dimension_semantics<core_parallel>, #tpu.dimension_semantics<subcore_parallel>], iteration_bounds = array<i64: 2, 16>, scalar_prefetch = 0 : i64, scratch_operands = 11 : i64, tpu.core_type = #tpu.core_type<sc_vector_subcore>, window_params = [{transform_indices = #map}, {transform_indices = #map1}, {transform_indices = #map}, {transform_indices = #map2}]} {
    %mul3A = arith.constant 625 : i32
    %mul3A_0 = arith.muli %arg1, %mul3A : i32
    "tpu.region"() ({
      %run_scoped3A = tpu.sem_alloc : memref<!tpu.dma_semaphore, #tpu.memory_space<semaphore_mem>>
      %dma_start3A_30 = arith.constant 0 : i32
      %dma_start3A_31 = tpu.memref_slice %arg12[%mul3A_0, %dma_start3A_30] : memref<10000x16xf32, #tpu.memory_space<vmem_shared>> -> memref<625x16xf32, #tpu.memory_space<vmem_shared>>
      tpu.enqueue_dma source(%arg4 : memref<625x16xf32, #tpu.memory_space<hbm>>) target(%dma_start3A_31 : memref<625x16xf32, #tpu.memory_space<vmem_shared>>) target_semaphore(%run_scoped3A : memref<!tpu.dma_semaphore, #tpu.memory_space<semaphore_mem>>)
      %dma_wait3A = arith.constant 0 : i32
      %dma_wait3A_32 = tpu.memref_slice %arg12[%mul3A_0, %dma_wait3A] : memref<10000x16xf32, #tpu.memory_space<vmem_shared>> -> memref<625x16xf32, #tpu.memory_space<vmem_shared>>
      tpu.wait_dma2 semaphore(%run_scoped3A : memref<!tpu.dma_semaphore, #tpu.memory_space<semaphore_mem>>) src(%arg4 : memref<625x16xf32, #tpu.memory_space<hbm>>) dst(%dma_wait3A_32 : memref<625x16xf32, #tpu.memory_space<vmem_shared>>)
      tpu.yield
    }) : () -> ()
    %barrier3A = arith.constant 0 : index
    tpu.barrier barrier_id(%barrier3A)
    %mul3A_1 = arith.constant 2 : i32
    %mul3A_2 = arith.muli %arg1, %mul3A_1 : i32
    %add3A = arith.addi %mul3A_2, %arg0 : i32
    %mul3A_3 = arith.constant 5000 : i32
    %mul3A_4 = arith.muli %add3A, %mul3A_3 : i32
    %add3A_5 = arith.constant 0 : i32
    %add3A_6 = arith.addi %mul3A_4, %add3A_5 : i32
    %dma_start3A = tpu.memref_slice %arg3[%add3A_6] : memref<160000xi32, #tpu.memory_space<hbm>> -> memref<112xi32, #tpu.memory_space<hbm>>
    %dma_start3A_7 = tpu.memref_slice %arg3[%add3A_6] : memref<160000xi32, #tpu.memory_space<hbm>> -> memref<112xi32, #tpu.memory_space<hbm>>
    tpu.enqueue_dma source(%dma_start3A_7 : memref<112xi32, #tpu.memory_space<hbm>>) target(%arg6 : memref<112xi32, #tpu.memory_space<vmem>>) target_semaphore(%arg13 : memref<!tpu.dma_semaphore, #tpu.memory_space<semaphore_mem>>)
    %dma_start3A_8 = arith.constant 0 : i32
    %dma_start3A_9 = tpu.memref_slice %arg2[%add3A_6, %dma_start3A_8] : memref<160000x16xf32, #tpu.memory_space<hbm>> -> memref<112x16xf32, #tpu.memory_space<hbm>>
    %dma_start3A_10 = arith.constant 0 : i32
    %dma_start3A_11 = tpu.memref_slice %arg2[%add3A_6, %dma_start3A_10] : memref<160000x16xf32, #tpu.memory_space<hbm>> -> memref<112x16xf32, #tpu.memory_space<hbm>>
    tpu.enqueue_dma source(%dma_start3A_11 : memref<112x16xf32, #tpu.memory_space<hbm>>) target(%arg8 : memref<112x16xf32, #tpu.memory_space<vmem>>) target_semaphore(%arg15 : memref<!tpu.dma_semaphore, #tpu.memory_space<semaphore_mem>>)
    %add3A_12 = arith.constant 112 : i32
    %add3A_13 = arith.addi %mul3A_4, %add3A_12 : i32
    %dma_start3A_14 = tpu.memref_slice %arg3[%add3A_13] : memref<160000xi32, #tpu.memory_space<hbm>> -> memref<112xi32, #tpu.memory_space<hbm>>
    %dma_start3A_15 = tpu.memref_slice %arg3[%add3A_13] : memref<160000xi32, #tpu.memory_space<hbm>> -> memref<112xi32, #tpu.memory_space<hbm>>
    tpu.enqueue_dma source(%dma_start3A_15 : memref<112xi32, #tpu.memory_space<hbm>>) target(%arg7 : memref<112xi32, #tpu.memory_space<vmem>>) target_semaphore(%arg14 : memref<!tpu.dma_semaphore, #tpu.memory_space<semaphore_mem>>)
    %dma_start3A_16 = arith.constant 0 : i32
    %dma_start3A_17 = tpu.memref_slice %arg2[%add3A_13, %dma_start3A_16] : memref<160000x16xf32, #tpu.memory_space<hbm>> -> memref<112x16xf32, #tpu.memory_space<hbm>>
    %dma_start3A_18 = arith.constant 0 : i32
    %dma_start3A_19 = tpu.memref_slice %arg2[%add3A_13, %dma_start3A_18] : memref<160000x16xf32, #tpu.memory_space<hbm>> -> memref<112x16xf32, #tpu.memory_space<hbm>>
    tpu.enqueue_dma source(%dma_start3A_19 : memref<112x16xf32, #tpu.memory_space<hbm>>) target(%arg9 : memref<112x16xf32, #tpu.memory_space<vmem>>) target_semaphore(%arg16 : memref<!tpu.dma_semaphore, #tpu.memory_space<semaphore_mem>>)
    %scan3A = arith.constant 0 : i32
    %scan3A_20 = arith.constant 0 : i32
    %scan3A_21 = arith.constant 22 : i32
    %scan3A_22 = arith.addi %scan3A_20, %scan3A_21 : i32
    %scan3A_23 = arith.constant 1 : i32
    scf.for %scan3A_30 = %scan3A_20 to %scan3A_22 step %scan3A_23  : i32 {
      %mul3A_31 = arith.constant 2 : i32
      %mul3A_32 = arith.muli %mul3A_31, %scan3A_30 : i32
      %add3A_33 = arith.constant 0 : i32
      %add3A_34 = arith.addi %mul3A_32, %add3A_33 : i32
      %mul3A_35 = arith.constant 112 : i32
      %mul3A_36 = arith.muli %add3A_34, %mul3A_35 : i32
      %add3A_37 = arith.addi %mul3A_4, %mul3A_36 : i32
      %dma_wait3A = tpu.memref_slice %arg3[%add3A_37] : memref<160000xi32, #tpu.memory_space<hbm>> -> memref<112xi32, #tpu.memory_space<hbm>>
      %dma_wait3A_38 = tpu.memref_slice %arg3[%add3A_37] : memref<160000xi32, #tpu.memory_space<hbm>> -> memref<112xi32, #tpu.memory_space<hbm>>
      tpu.wait_dma2 semaphore(%arg13 : memref<!tpu.dma_semaphore, #tpu.memory_space<semaphore_mem>>) src(%dma_wait3A_38 : memref<112xi32, #tpu.memory_space<hbm>>) dst(%arg6 : memref<112xi32, #tpu.memory_space<vmem>>)
      %dma_wait3A_39 = arith.constant 0 : i32
      %dma_wait3A_40 = tpu.memref_slice %arg2[%add3A_37, %dma_wait3A_39] : memref<160000x16xf32, #tpu.memory_space<hbm>> -> memref<112x16xf32, #tpu.memory_space<hbm>>
      %dma_wait3A_41 = arith.constant 0 : i32
      %dma_wait3A_42 = tpu.memref_slice %arg2[%add3A_37, %dma_wait3A_41] : memref<160000x16xf32, #tpu.memory_space<hbm>> -> memref<112x16xf32, #tpu.memory_space<hbm>>
      tpu.wait_dma2 semaphore(%arg15 : memref<!tpu.dma_semaphore, #tpu.memory_space<semaphore_mem>>) src(%dma_wait3A_42 : memref<112x16xf32, #tpu.memory_space<hbm>>) dst(%arg8 : memref<112x16xf32, #tpu.memory_space<vmem>>)
      "tpu.region"() ({
        %run_scoped3A = tpu.sem_alloc : memref<!tpu.dma_semaphore, #tpu.memory_space<semaphore_mem>>
        %dma_start3A_65 = arith.constant 0 : i32
        %dma_start3A_66 = arith.constant 0 : i32
        %dma_start3A_67 = tpu.memref_slice %arg12[%dma_start3A_65, %dma_start3A_66] : memref<10000x16xf32, #tpu.memory_space<vmem_shared>> -> memref<10000x16xf32, #tpu.memory_space<vmem_shared>>
        tpu.enqueue_indirect_dma source(%arg8 : memref<112x16xf32, #tpu.memory_space<vmem>>) target(%dma_start3A_67 : memref<10000x16xf32, #tpu.memory_space<vmem_shared>>) offsets(%arg6 : memref<112xi32, #tpu.memory_space<vmem>>) semaphore(%run_scoped3A : memref<!tpu.dma_semaphore, #tpu.memory_space<semaphore_mem>>) {add = true}
        %dma_wait3A_68 = arith.constant 0 : i32
        %dma_wait3A_69 = arith.constant 0 : i32
        %dma_wait3A_70 = tpu.memref_slice %arg12[%dma_wait3A_68, %dma_wait3A_69] : memref<10000x16xf32, #tpu.memory_space<vmem_shared>> -> memref<10000x16xf32, #tpu.memory_space<vmem_shared>>
        tpu.wait_indirect_dma semaphore(%run_scoped3A : memref<!tpu.dma_semaphore, #tpu.memory_space<semaphore_mem>>) src(%arg8 : memref<112x16xf32, #tpu.memory_space<vmem>>) dst(%dma_wait3A_70 : memref<10000x16xf32, #tpu.memory_space<vmem_shared>>)
        tpu.yield
      }) : () -> ()
      %lt3A = arith.constant 21 : i32
      %lt3A_43 = arith.cmpi slt, %scan3A_30, %lt3A : i32
      %convert_element_type3A_44 = arith.extui %lt3A_43 : i1 to i32
      %cond3A_45 = arith.constant 0 : i32
      %cond3A_46 = arith.cmpi ne, %convert_element_type3A_44, %cond3A_45 : i32
      scf.if %cond3A_46 {
        %add3A_65 = arith.constant 2 : i32
        %add3A_66 = arith.addi %add3A_34, %add3A_65 : i32
        %mul3A_67 = arith.constant 112 : i32
        %mul3A_68 = arith.muli %add3A_66, %mul3A_67 : i32
        %add3A_69 = arith.addi %mul3A_4, %mul3A_68 : i32
        %dma_start3A_70 = tpu.memref_slice %arg3[%add3A_69] : memref<160000xi32, #tpu.memory_space<hbm>> -> memref<112xi32, #tpu.memory_space<hbm>>
        %dma_start3A_71 = tpu.memref_slice %arg3[%add3A_69] : memref<160000xi32, #tpu.memory_space<hbm>> -> memref<112xi32, #tpu.memory_space<hbm>>
        tpu.enqueue_dma source(%dma_start3A_71 : memref<112xi32, #tpu.memory_space<hbm>>) target(%arg6 : memref<112xi32, #tpu.memory_space<vmem>>) target_semaphore(%arg13 : memref<!tpu.dma_semaphore, #tpu.memory_space<semaphore_mem>>)
        %dma_start3A_72 = arith.constant 0 : i32
        %dma_start3A_73 = tpu.memref_slice %arg2[%add3A_69, %dma_start3A_72] : memref<160000x16xf32, #tpu.memory_space<hbm>> -> memref<112x16xf32, #tpu.memory_space<hbm>>
        %dma_start3A_74 = arith.constant 0 : i32
        %dma_start3A_75 = tpu.memref_slice %arg2[%add3A_69, %dma_start3A_74] : memref<160000x16xf32, #tpu.memory_space<hbm>> -> memref<112x16xf32, #tpu.memory_space<hbm>>
        tpu.enqueue_dma source(%dma_start3A_75 : memref<112x16xf32, #tpu.memory_space<hbm>>) target(%arg8 : memref<112x16xf32, #tpu.memory_space<vmem>>) target_semaphore(%arg15 : memref<!tpu.dma_semaphore, #tpu.memory_space<semaphore_mem>>)
      } else {
      }
      %mul3A_47 = arith.constant 2 : i32
      %mul3A_48 = arith.muli %mul3A_47, %scan3A_30 : i32
      %add3A_49 = arith.constant 1 : i32
      %add3A_50 = arith.addi %mul3A_48, %add3A_49 : i32
      %mul3A_51 = arith.constant 112 : i32
      %mul3A_52 = arith.muli %add3A_50, %mul3A_51 : i32
      %add3A_53 = arith.addi %mul3A_4, %mul3A_52 : i32
      %dma_wait3A_54 = tpu.memref_slice %arg3[%add3A_53] : memref<160000xi32, #tpu.memory_space<hbm>> -> memref<112xi32, #tpu.memory_space<hbm>>
      %dma_wait3A_55 = tpu.memref_slice %arg3[%add3A_53] : memref<160000xi32, #tpu.memory_space<hbm>> -> memref<112xi32, #tpu.memory_space<hbm>>
      tpu.wait_dma2 semaphore(%arg14 : memref<!tpu.dma_semaphore, #tpu.memory_space<semaphore_mem>>) src(%dma_wait3A_55 : memref<112xi32, #tpu.memory_space<hbm>>) dst(%arg7 : memref<112xi32, #tpu.memory_space<vmem>>)
      %dma_wait3A_56 = arith.constant 0 : i32
      %dma_wait3A_57 = tpu.memref_slice %arg2[%add3A_53, %dma_wait3A_56] : memref<160000x16xf32, #tpu.memory_space<hbm>> -> memref<112x16xf32, #tpu.memory_space<hbm>>
      %dma_wait3A_58 = arith.constant 0 : i32
      %dma_wait3A_59 = tpu.memref_slice %arg2[%add3A_53, %dma_wait3A_58] : memref<160000x16xf32, #tpu.memory_space<hbm>> -> memref<112x16xf32, #tpu.memory_space<hbm>>
      tpu.wait_dma2 semaphore(%arg16 : memref<!tpu.dma_semaphore, #tpu.memory_space<semaphore_mem>>) src(%dma_wait3A_59 : memref<112x16xf32, #tpu.memory_space<hbm>>) dst(%arg9 : memref<112x16xf32, #tpu.memory_space<vmem>>)
      "tpu.region"() ({
        %run_scoped3A = tpu.sem_alloc : memref<!tpu.dma_semaphore, #tpu.memory_space<semaphore_mem>>
        %dma_start3A_65 = arith.constant 0 : i32
        %dma_start3A_66 = arith.constant 0 : i32
        %dma_start3A_67 = tpu.memref_slice %arg12[%dma_start3A_65, %dma_start3A_66] : memref<10000x16xf32, #tpu.memory_space<vmem_shared>> -> memref<10000x16xf32, #tpu.memory_space<vmem_shared>>
        tpu.enqueue_indirect_dma source(%arg9 : memref<112x16xf32, #tpu.memory_space<vmem>>) target(%dma_start3A_67 : memref<10000x16xf32, #tpu.memory_space<vmem_shared>>) offsets(%arg7 : memref<112xi32, #tpu.memory_space<vmem>>) semaphore(%run_scoped3A : memref<!tpu.dma_semaphore, #tpu.memory_space<semaphore_mem>>) {add = true}
        %dma_wait3A_68 = arith.constant 0 : i32
        %dma_wait3A_69 = arith.constant 0 : i32
        %dma_wait3A_70 = tpu.memref_slice %arg12[%dma_wait3A_68, %dma_wait3A_69] : memref<10000x16xf32, #tpu.memory_space<vmem_shared>> -> memref<10000x16xf32, #tpu.memory_space<vmem_shared>>
        tpu.wait_indirect_dma semaphore(%run_scoped3A : memref<!tpu.dma_semaphore, #tpu.memory_space<semaphore_mem>>) src(%arg9 : memref<112x16xf32, #tpu.memory_space<vmem>>) dst(%dma_wait3A_70 : memref<10000x16xf32, #tpu.memory_space<vmem_shared>>)
        tpu.yield
      }) : () -> ()
      %lt3A_60 = arith.constant 21 : i32
      %lt3A_61 = arith.cmpi slt, %scan3A_30, %lt3A_60 : i32
      %convert_element_type3A_62 = arith.extui %lt3A_61 : i1 to i32
      %cond3A_63 = arith.constant 0 : i32
      %cond3A_64 = arith.cmpi ne, %convert_element_type3A_62, %cond3A_63 : i32
      scf.if %cond3A_64 {
        %add3A_65 = arith.constant 2 : i32
        %add3A_66 = arith.addi %add3A_50, %add3A_65 : i32
        %mul3A_67 = arith.constant 112 : i32
        %mul3A_68 = arith.muli %add3A_66, %mul3A_67 : i32
        %add3A_69 = arith.addi %mul3A_4, %mul3A_68 : i32
        %dma_start3A_70 = tpu.memref_slice %arg3[%add3A_69] : memref<160000xi32, #tpu.memory_space<hbm>> -> memref<112xi32, #tpu.memory_space<hbm>>
        %dma_start3A_71 = tpu.memref_slice %arg3[%add3A_69] : memref<160000xi32, #tpu.memory_space<hbm>> -> memref<112xi32, #tpu.memory_space<hbm>>
        tpu.enqueue_dma source(%dma_start3A_71 : memref<112xi32, #tpu.memory_space<hbm>>) target(%arg7 : memref<112xi32, #tpu.memory_space<vmem>>) target_semaphore(%arg14 : memref<!tpu.dma_semaphore, #tpu.memory_space<semaphore_mem>>)
        %dma_start3A_72 = arith.constant 0 : i32
        %dma_start3A_73 = tpu.memref_slice %arg2[%add3A_69, %dma_start3A_72] : memref<160000x16xf32, #tpu.memory_space<hbm>> -> memref<112x16xf32, #tpu.memory_space<hbm>>
        %dma_start3A_74 = arith.constant 0 : i32
        %dma_start3A_75 = tpu.memref_slice %arg2[%add3A_69, %dma_start3A_74] : memref<160000x16xf32, #tpu.memory_space<hbm>> -> memref<112x16xf32, #tpu.memory_space<hbm>>
        tpu.enqueue_dma source(%dma_start3A_75 : memref<112x16xf32, #tpu.memory_space<hbm>>) target(%arg9 : memref<112x16xf32, #tpu.memory_space<vmem>>) target_semaphore(%arg16 : memref<!tpu.dma_semaphore, #tpu.memory_space<semaphore_mem>>)
      } else {
      }
    }
    %scan3A_24 = arith.constant 22 : i32
    %add3A_25 = arith.constant 4928 : i32
    %add3A_26 = arith.addi %mul3A_4, %add3A_25 : i32
    "tpu.region"() ({
      %run_scoped3A = tpu.sem_alloc : memref<!tpu.dma_semaphore, #tpu.memory_space<semaphore_mem>>
      %dma_start3A_30 = tpu.memref_slice %arg3[%add3A_26] : memref<160000xi32, #tpu.memory_space<hbm>> -> memref<72xi32, #tpu.memory_space<hbm>>
      %dma_start3A_31 = tpu.memref_slice %arg3[%add3A_26] : memref<160000xi32, #tpu.memory_space<hbm>> -> memref<72xi32, #tpu.memory_space<hbm>>
      tpu.enqueue_dma source(%dma_start3A_31 : memref<72xi32, #tpu.memory_space<hbm>>) target(%arg10 : memref<72xi32, #tpu.memory_space<vmem>>) target_semaphore(%run_scoped3A : memref<!tpu.dma_semaphore, #tpu.memory_space<semaphore_mem>>)
      %dma_wait3A = tpu.memref_slice %arg3[%add3A_26] : memref<160000xi32, #tpu.memory_space<hbm>> -> memref<72xi32, #tpu.memory_space<hbm>>
      %dma_wait3A_32 = tpu.memref_slice %arg3[%add3A_26] : memref<160000xi32, #tpu.memory_space<hbm>> -> memref<72xi32, #tpu.memory_space<hbm>>
      tpu.wait_dma2 semaphore(%run_scoped3A : memref<!tpu.dma_semaphore, #tpu.memory_space<semaphore_mem>>) src(%dma_wait3A_32 : memref<72xi32, #tpu.memory_space<hbm>>) dst(%arg10 : memref<72xi32, #tpu.memory_space<vmem>>)
      tpu.yield
    }) : () -> ()
    "tpu.region"() ({
      %run_scoped3A = tpu.sem_alloc : memref<!tpu.dma_semaphore, #tpu.memory_space<semaphore_mem>>
      %dma_start3A_30 = arith.constant 0 : i32
      %dma_start3A_31 = tpu.memref_slice %arg2[%add3A_26, %dma_start3A_30] : memref<160000x16xf32, #tpu.memory_space<hbm>> -> memref<72x16xf32, #tpu.memory_space<hbm>>
      %dma_start3A_32 = arith.constant 0 : i32
      %dma_start3A_33 = tpu.memref_slice %arg2[%add3A_26, %dma_start3A_32] : memref<160000x16xf32, #tpu.memory_space<hbm>> -> memref<72x16xf32, #tpu.memory_space<hbm>>
      tpu.enqueue_dma source(%dma_start3A_33 : memref<72x16xf32, #tpu.memory_space<hbm>>) target(%arg11 : memref<72x16xf32, #tpu.memory_space<vmem>>) target_semaphore(%run_scoped3A : memref<!tpu.dma_semaphore, #tpu.memory_space<semaphore_mem>>)
      %dma_wait3A = arith.constant 0 : i32
      %dma_wait3A_34 = tpu.memref_slice %arg2[%add3A_26, %dma_wait3A] : memref<160000x16xf32, #tpu.memory_space<hbm>> -> memref<72x16xf32, #tpu.memory_space<hbm>>
      %dma_wait3A_35 = arith.constant 0 : i32
      %dma_wait3A_36 = tpu.memref_slice %arg2[%add3A_26, %dma_wait3A_35] : memref<160000x16xf32, #tpu.memory_space<hbm>> -> memref<72x16xf32, #tpu.memory_space<hbm>>
      tpu.wait_dma2 semaphore(%run_scoped3A : memref<!tpu.dma_semaphore, #tpu.memory_space<semaphore_mem>>) src(%dma_wait3A_36 : memref<72x16xf32, #tpu.memory_space<hbm>>) dst(%arg11 : memref<72x16xf32, #tpu.memory_space<vmem>>)
      tpu.yield
    }) : () -> ()
    "tpu.region"() ({
      %run_scoped3A = tpu.sem_alloc : memref<!tpu.dma_semaphore, #tpu.memory_space<semaphore_mem>>
      %dma_start3A_30 = arith.constant 0 : i32
      %dma_start3A_31 = arith.constant 0 : i32
      %dma_start3A_32 = tpu.memref_slice %arg12[%dma_start3A_30, %dma_start3A_31] : memref<10000x16xf32, #tpu.memory_space<vmem_shared>> -> memref<10000x16xf32, #tpu.memory_space<vmem_shared>>
      tpu.enqueue_indirect_dma source(%arg11 : memref<72x16xf32, #tpu.memory_space<vmem>>) target(%dma_start3A_32 : memref<10000x16xf32, #tpu.memory_space<vmem_shared>>) offsets(%arg10 : memref<72xi32, #tpu.memory_space<vmem>>) semaphore(%run_scoped3A : memref<!tpu.dma_semaphore, #tpu.memory_space<semaphore_mem>>) {add = true}
      %dma_wait3A = arith.constant 0 : i32
      %dma_wait3A_33 = arith.constant 0 : i32
      %dma_wait3A_34 = tpu.memref_slice %arg12[%dma_wait3A, %dma_wait3A_33] : memref<10000x16xf32, #tpu.memory_space<vmem_shared>> -> memref<10000x16xf32, #tpu.memory_space<vmem_shared>>
      tpu.wait_indirect_dma semaphore(%run_scoped3A : memref<!tpu.dma_semaphore, #tpu.memory_space<semaphore_mem>>) src(%arg11 : memref<72x16xf32, #tpu.memory_space<vmem>>) dst(%dma_wait3A_34 : memref<10000x16xf32, #tpu.memory_space<vmem_shared>>)
      tpu.yield
    }) : () -> ()
    %barrier3A_27 = arith.constant 0 : index
    tpu.barrier barrier_id(%barrier3A_27)
    %eq3A = arith.constant 0 : i32
    %eq3A_28 = arith.cmpi eq, %arg1, %eq3A : i32
    %convert_element_type3A = arith.extui %eq3A_28 : i1 to i32
    %cond3A = arith.constant 0 : i32
    %cond3A_29 = arith.cmpi ne, %convert_element_type3A, %cond3A : i32
    scf.if %cond3A_29 {
      "tpu.region"() ({
        %run_scoped3A = tpu.sem_alloc : memref<!tpu.dma_semaphore, #tpu.memory_space<semaphore_mem>>
        %dma_start3A_30 = arith.constant 0 : i32
        %dma_start3A_31 = arith.constant 0 : i32
        %dma_start3A_32 = tpu.memref_slice %arg5[%arg0, %dma_start3A_30, %dma_start3A_31] : memref<2x10000x16xf32, #tpu.memory_space<hbm>> -> memref<1x10000x16xf32, #tpu.memory_space<hbm>>
        %dma_start3A_33 = tpu.memref_squeeze %dma_start3A_32 : memref<1x10000x16xf32, #tpu.memory_space<hbm>> -> memref<10000x16xf32, #tpu.memory_space<hbm>>
        tpu.enqueue_dma source(%arg12 : memref<10000x16xf32, #tpu.memory_space<vmem_shared>>) target(%dma_start3A_33 : memref<10000x16xf32, #tpu.memory_space<hbm>>) target_semaphore(%run_scoped3A : memref<!tpu.dma_semaphore, #tpu.memory_space<semaphore_mem>>)
        %dma_wait3A = arith.constant 0 : i32
        %dma_wait3A_34 = arith.constant 0 : i32
        %dma_wait3A_35 = tpu.memref_slice %arg5[%arg0, %dma_wait3A, %dma_wait3A_34] : memref<2x10000x16xf32, #tpu.memory_space<hbm>> -> memref<1x10000x16xf32, #tpu.memory_space<hbm>>
        %dma_wait3A_36 = tpu.memref_squeeze %dma_wait3A_35 : memref<1x10000x16xf32, #tpu.memory_space<hbm>> -> memref<10000x16xf32, #tpu.memory_space<hbm>>
        tpu.wait_dma2 semaphore(%run_scoped3A : memref<!tpu.dma_semaphore, #tpu.memory_space<semaphore_mem>>) src(%arg12 : memref<10000x16xf32, #tpu.memory_space<vmem_shared>>) dst(%dma_wait3A_36 : memref<10000x16xf32, #tpu.memory_space<hbm>>)
        tpu.yield
      }) : () -> ()
    } else {
    }
    return
  }
}

#map = affine_map<(d0, d1) -> (0, 0)>
#map1 = affine_map<(d0, d1) -> (0)>
module attributes {stable_mosaic.version = 14 : i64} {
  func.func @k(%arg0: i32, %arg1: i32, %arg2: memref<10000x128xf32, #tpu.memory_space<hbm>>, %arg3: memref<160000xi32, #tpu.memory_space<hbm>>, %arg4: memref<160000x128xf32, #tpu.memory_space<hbm>>, %arg5: memref<112xi32, #tpu.memory_space<vmem>>, %arg6: memref<112xi32, #tpu.memory_space<vmem>>, %arg7: memref<112x128xf32, #tpu.memory_space<vmem>>, %arg8: memref<112x128xf32, #tpu.memory_space<vmem>>, %arg9: memref<72xi32, #tpu.memory_space<vmem>>, %arg10: memref<72x128xf32, #tpu.memory_space<vmem>>, %arg11: memref<!tpu.dma_semaphore, #tpu.memory_space<semaphore_mem>>, %arg12: memref<!tpu.dma_semaphore, #tpu.memory_space<semaphore_mem>>, %arg13: memref<!tpu.dma_semaphore, #tpu.memory_space<semaphore_mem>>, %arg14: memref<!tpu.dma_semaphore, #tpu.memory_space<semaphore_mem>>, %arg15: memref<!tpu.dma_semaphore, #tpu.memory_space<semaphore_mem>>, %arg16: memref<!tpu.dma_semaphore, #tpu.memory_space<semaphore_mem>>) attributes {dimension_semantics = [#tpu.dimension_semantics<core_parallel>, #tpu.dimension_semantics<subcore_parallel>], iteration_bounds = array<i64: 2, 16>, scalar_prefetch = 0 : i64, scratch_operands = 12 : i64, tpu.core_type = #tpu.core_type<sc_vector_subcore>, window_params = [{transform_indices = #map}, {transform_indices = #map1}, {transform_indices = #map}]} {
    %mul3A = arith.constant 2 : i32
    %mul3A_0 = arith.muli %arg1, %mul3A : i32
    %add3A = arith.addi %mul3A_0, %arg0 : i32
    %mul3A_1 = arith.constant 5000 : i32
    %mul3A_2 = arith.muli %add3A, %mul3A_1 : i32
    %add3A_3 = arith.constant 0 : i32
    %add3A_4 = arith.addi %mul3A_2, %add3A_3 : i32
    %dma_start3A = tpu.memref_slice %arg3[%add3A_4] : memref<160000xi32, #tpu.memory_space<hbm>> -> memref<112xi32, #tpu.memory_space<hbm>>
    %dma_start3A_5 = tpu.memref_slice %arg3[%add3A_4] : memref<160000xi32, #tpu.memory_space<hbm>> -> memref<112xi32, #tpu.memory_space<hbm>>
    tpu.enqueue_dma source(%dma_start3A_5 : memref<112xi32, #tpu.memory_space<hbm>>) target(%arg5 : memref<112xi32, #tpu.memory_space<vmem>>) target_semaphore(%arg11 : memref<!tpu.dma_semaphore, #tpu.memory_space<semaphore_mem>>)
    %add3A_6 = arith.constant 112 : i32
    %add3A_7 = arith.addi %mul3A_2, %add3A_6 : i32
    %dma_start3A_8 = tpu.memref_slice %arg3[%add3A_7] : memref<160000xi32, #tpu.memory_space<hbm>> -> memref<112xi32, #tpu.memory_space<hbm>>
    %dma_start3A_9 = tpu.memref_slice %arg3[%add3A_7] : memref<160000xi32, #tpu.memory_space<hbm>> -> memref<112xi32, #tpu.memory_space<hbm>>
    tpu.enqueue_dma source(%dma_start3A_9 : memref<112xi32, #tpu.memory_space<hbm>>) target(%arg6 : memref<112xi32, #tpu.memory_space<vmem>>) target_semaphore(%arg12 : memref<!tpu.dma_semaphore, #tpu.memory_space<semaphore_mem>>)
    %scan3A = arith.constant 0 : i32
    %scan3A_10 = arith.constant 0 : i32
    %scan3A_11 = arith.constant 22 : i32
    %scan3A_12 = arith.addi %scan3A_10, %scan3A_11 : i32
    %scan3A_13 = arith.constant 1 : i32
    scf.for %scan3A_34 = %scan3A_10 to %scan3A_12 step %scan3A_13  : i32 {
      %mul3A_35 = arith.constant 2 : i32
      %mul3A_36 = arith.muli %mul3A_35, %scan3A_34 : i32
      %add3A_37 = arith.constant 0 : i32
      %add3A_38 = arith.addi %mul3A_36, %add3A_37 : i32
      %mul3A_39 = arith.constant 112 : i32
      %mul3A_40 = arith.muli %add3A_38, %mul3A_39 : i32
      %add3A_41 = arith.addi %mul3A_2, %mul3A_40 : i32
      %dma_wait3A_42 = tpu.memref_slice %arg3[%add3A_41] : memref<160000xi32, #tpu.memory_space<hbm>> -> memref<112xi32, #tpu.memory_space<hbm>>
      %dma_wait3A_43 = tpu.memref_slice %arg3[%add3A_41] : memref<160000xi32, #tpu.memory_space<hbm>> -> memref<112xi32, #tpu.memory_space<hbm>>
      tpu.wait_dma2 semaphore(%arg11 : memref<!tpu.dma_semaphore, #tpu.memory_space<semaphore_mem>>) src(%dma_wait3A_43 : memref<112xi32, #tpu.memory_space<hbm>>) dst(%arg5 : memref<112xi32, #tpu.memory_space<vmem>>)
      %gt3A = arith.constant 0 : i32
      %gt3A_44 = arith.cmpi sgt, %scan3A_34, %gt3A : i32
      %convert_element_type3A = arith.extui %gt3A_44 : i1 to i32
      %cond3A = arith.constant 0 : i32
      %cond3A_45 = arith.cmpi ne, %convert_element_type3A, %cond3A : i32
      scf.if %cond3A_45 {
        %sub3A = arith.constant 2 : i32
        %sub3A_95 = arith.subi %add3A_38, %sub3A : i32
        %mul3A_96 = arith.constant 112 : i32
        %mul3A_97 = arith.muli %sub3A_95, %mul3A_96 : i32
        %add3A_98 = arith.addi %mul3A_2, %mul3A_97 : i32
        %dma_wait3A_99 = arith.constant 0 : i32
        %dma_wait3A_100 = tpu.memref_slice %arg4[%add3A_98, %dma_wait3A_99] : memref<160000x128xf32, #tpu.memory_space<hbm>> -> memref<112x128xf32, #tpu.memory_space<hbm>>
        %dma_wait3A_101 = arith.constant 0 : i32
        %dma_wait3A_102 = tpu.memref_slice %arg4[%add3A_98, %dma_wait3A_101] : memref<160000x128xf32, #tpu.memory_space<hbm>> -> memref<112x128xf32, #tpu.memory_space<hbm>>
        tpu.wait_dma2 semaphore(%arg15 : memref<!tpu.dma_semaphore, #tpu.memory_space<semaphore_mem>>) src(%arg7 : memref<112x128xf32, #tpu.memory_space<vmem>>) dst(%dma_wait3A_102 : memref<112x128xf32, #tpu.memory_space<hbm>>)
      } else {
      }
      %dma_start3A_46 = arith.constant 0 : i32
      %dma_start3A_47 = arith.constant 0 : i32
      %dma_start3A_48 = tpu.memref_slice %arg2[%dma_start3A_46, %dma_start3A_47] : memref<10000x128xf32, #tpu.memory_space<hbm>> -> memref<10000x128xf32, #tpu.memory_space<hbm>>
      tpu.enqueue_indirect_dma source(%dma_start3A_48 : memref<10000x128xf32, #tpu.memory_space<hbm>>) target(%arg7 : memref<112x128xf32, #tpu.memory_space<vmem>>) offsets(%arg5 : memref<112xi32, #tpu.memory_space<vmem>>) semaphore(%arg13 : memref<!tpu.dma_semaphore, #tpu.memory_space<semaphore_mem>>)
      %dma_wait3A_49 = arith.constant 0 : i32
      %dma_wait3A_50 = arith.constant 0 : i32
      %dma_wait3A_51 = tpu.memref_slice %arg2[%dma_wait3A_49, %dma_wait3A_50] : memref<10000x128xf32, #tpu.memory_space<hbm>> -> memref<10000x128xf32, #tpu.memory_space<hbm>>
      tpu.wait_indirect_dma semaphore(%arg13 : memref<!tpu.dma_semaphore, #tpu.memory_space<semaphore_mem>>) src(%dma_wait3A_51 : memref<10000x128xf32, #tpu.memory_space<hbm>>) dst(%arg7 : memref<112x128xf32, #tpu.memory_space<vmem>>)
      %mul3A_52 = arith.constant 112 : i32
      %mul3A_53 = arith.muli %add3A_38, %mul3A_52 : i32
      %add3A_54 = arith.addi %mul3A_2, %mul3A_53 : i32
      %dma_start3A_55 = arith.constant 0 : i32
      %dma_start3A_56 = tpu.memref_slice %arg4[%add3A_54, %dma_start3A_55] : memref<160000x128xf32, #tpu.memory_space<hbm>> -> memref<112x128xf32, #tpu.memory_space<hbm>>
      %dma_start3A_57 = arith.constant 0 : i32
      %dma_start3A_58 = tpu.memref_slice %arg4[%add3A_54, %dma_start3A_57] : memref<160000x128xf32, #tpu.memory_space<hbm>> -> memref<112x128xf32, #tpu.memory_space<hbm>>
      tpu.enqueue_dma source(%arg7 : memref<112x128xf32, #tpu.memory_space<vmem>>) target(%dma_start3A_58 : memref<112x128xf32, #tpu.memory_space<hbm>>) target_semaphore(%arg15 : memref<!tpu.dma_semaphore, #tpu.memory_space<semaphore_mem>>)
      %lt3A = arith.constant 21 : i32
      %lt3A_59 = arith.cmpi slt, %scan3A_34, %lt3A : i32
      %convert_element_type3A_60 = arith.extui %lt3A_59 : i1 to i32
      %cond3A_61 = arith.constant 0 : i32
      %cond3A_62 = arith.cmpi ne, %convert_element_type3A_60, %cond3A_61 : i32
      scf.if %cond3A_62 {
        %add3A_95 = arith.constant 2 : i32
        %add3A_96 = arith.addi %add3A_38, %add3A_95 : i32
        %mul3A_97 = arith.constant 112 : i32
        %mul3A_98 = arith.muli %add3A_96, %mul3A_97 : i32
        %add3A_99 = arith.addi %mul3A_2, %mul3A_98 : i32
        %dma_start3A_100 = tpu.memref_slice %arg3[%add3A_99] : memref<160000xi32, #tpu.memory_space<hbm>> -> memref<112xi32, #tpu.memory_space<hbm>>
        %dma_start3A_101 = tpu.memref_slice %arg3[%add3A_99] : memref<160000xi32, #tpu.memory_space<hbm>> -> memref<112xi32, #tpu.memory_space<hbm>>
        tpu.enqueue_dma source(%dma_start3A_101 : memref<112xi32, #tpu.memory_space<hbm>>) target(%arg5 : memref<112xi32, #tpu.memory_space<vmem>>) target_semaphore(%arg11 : memref<!tpu.dma_semaphore, #tpu.memory_space<semaphore_mem>>)
      } else {
      }
      %mul3A_63 = arith.constant 2 : i32
      %mul3A_64 = arith.muli %mul3A_63, %scan3A_34 : i32
      %add3A_65 = arith.constant 1 : i32
      %add3A_66 = arith.addi %mul3A_64, %add3A_65 : i32
      %mul3A_67 = arith.constant 112 : i32
      %mul3A_68 = arith.muli %add3A_66, %mul3A_67 : i32
      %add3A_69 = arith.addi %mul3A_2, %mul3A_68 : i32
      %dma_wait3A_70 = tpu.memref_slice %arg3[%add3A_69] : memref<160000xi32, #tpu.memory_space<hbm>> -> memref<112xi32, #tpu.memory_space<hbm>>
      %dma_wait3A_71 = tpu.memref_slice %arg3[%add3A_69] : memref<160000xi32, #tpu.memory_space<hbm>> -> memref<112xi32, #tpu.memory_space<hbm>>
      tpu.wait_dma2 semaphore(%arg12 : memref<!tpu.dma_semaphore, #tpu.memory_space<semaphore_mem>>) src(%dma_wait3A_71 : memref<112xi32, #tpu.memory_space<hbm>>) dst(%arg6 : memref<112xi32, #tpu.memory_space<vmem>>)
      %gt3A_72 = arith.constant 0 : i32
      %gt3A_73 = arith.cmpi sgt, %scan3A_34, %gt3A_72 : i32
      %convert_element_type3A_74 = arith.extui %gt3A_73 : i1 to i32
      %cond3A_75 = arith.constant 0 : i32
      %cond3A_76 = arith.cmpi ne, %convert_element_type3A_74, %cond3A_75 : i32
      scf.if %cond3A_76 {
        %sub3A = arith.constant 2 : i32
        %sub3A_95 = arith.subi %add3A_66, %sub3A : i32
        %mul3A_96 = arith.constant 112 : i32
        %mul3A_97 = arith.muli %sub3A_95, %mul3A_96 : i32
        %add3A_98 = arith.addi %mul3A_2, %mul3A_97 : i32
        %dma_wait3A_99 = arith.constant 0 : i32
        %dma_wait3A_100 = tpu.memref_slice %arg4[%add3A_98, %dma_wait3A_99] : memref<160000x128xf32, #tpu.memory_space<hbm>> -> memref<112x128xf32, #tpu.memory_space<hbm>>
        %dma_wait3A_101 = arith.constant 0 : i32
        %dma_wait3A_102 = tpu.memref_slice %arg4[%add3A_98, %dma_wait3A_101] : memref<160000x128xf32, #tpu.memory_space<hbm>> -> memref<112x128xf32, #tpu.memory_space<hbm>>
        tpu.wait_dma2 semaphore(%arg16 : memref<!tpu.dma_semaphore, #tpu.memory_space<semaphore_mem>>) src(%arg8 : memref<112x128xf32, #tpu.memory_space<vmem>>) dst(%dma_wait3A_102 : memref<112x128xf32, #tpu.memory_space<hbm>>)
      } else {
      }
      %dma_start3A_77 = arith.constant 0 : i32
      %dma_start3A_78 = arith.constant 0 : i32
      %dma_start3A_79 = tpu.memref_slice %arg2[%dma_start3A_77, %dma_start3A_78] : memref<10000x128xf32, #tpu.memory_space<hbm>> -> memref<10000x128xf32, #tpu.memory_space<hbm>>
      tpu.enqueue_indirect_dma source(%dma_start3A_79 : memref<10000x128xf32, #tpu.memory_space<hbm>>) target(%arg8 : memref<112x128xf32, #tpu.memory_space<vmem>>) offsets(%arg6 : memref<112xi32, #tpu.memory_space<vmem>>) semaphore(%arg14 : memref<!tpu.dma_semaphore, #tpu.memory_space<semaphore_mem>>)
      %dma_wait3A_80 = arith.constant 0 : i32
      %dma_wait3A_81 = arith.constant 0 : i32
      %dma_wait3A_82 = tpu.memref_slice %arg2[%dma_wait3A_80, %dma_wait3A_81] : memref<10000x128xf32, #tpu.memory_space<hbm>> -> memref<10000x128xf32, #tpu.memory_space<hbm>>
      tpu.wait_indirect_dma semaphore(%arg14 : memref<!tpu.dma_semaphore, #tpu.memory_space<semaphore_mem>>) src(%dma_wait3A_82 : memref<10000x128xf32, #tpu.memory_space<hbm>>) dst(%arg8 : memref<112x128xf32, #tpu.memory_space<vmem>>)
      %mul3A_83 = arith.constant 112 : i32
      %mul3A_84 = arith.muli %add3A_66, %mul3A_83 : i32
      %add3A_85 = arith.addi %mul3A_2, %mul3A_84 : i32
      %dma_start3A_86 = arith.constant 0 : i32
      %dma_start3A_87 = tpu.memref_slice %arg4[%add3A_85, %dma_start3A_86] : memref<160000x128xf32, #tpu.memory_space<hbm>> -> memref<112x128xf32, #tpu.memory_space<hbm>>
      %dma_start3A_88 = arith.constant 0 : i32
      %dma_start3A_89 = tpu.memref_slice %arg4[%add3A_85, %dma_start3A_88] : memref<160000x128xf32, #tpu.memory_space<hbm>> -> memref<112x128xf32, #tpu.memory_space<hbm>>
      tpu.enqueue_dma source(%arg8 : memref<112x128xf32, #tpu.memory_space<vmem>>) target(%dma_start3A_89 : memref<112x128xf32, #tpu.memory_space<hbm>>) target_semaphore(%arg16 : memref<!tpu.dma_semaphore, #tpu.memory_space<semaphore_mem>>)
      %lt3A_90 = arith.constant 21 : i32
      %lt3A_91 = arith.cmpi slt, %scan3A_34, %lt3A_90 : i32
      %convert_element_type3A_92 = arith.extui %lt3A_91 : i1 to i32
      %cond3A_93 = arith.constant 0 : i32
      %cond3A_94 = arith.cmpi ne, %convert_element_type3A_92, %cond3A_93 : i32
      scf.if %cond3A_94 {
        %add3A_95 = arith.constant 2 : i32
        %add3A_96 = arith.addi %add3A_66, %add3A_95 : i32
        %mul3A_97 = arith.constant 112 : i32
        %mul3A_98 = arith.muli %add3A_96, %mul3A_97 : i32
        %add3A_99 = arith.addi %mul3A_2, %mul3A_98 : i32
        %dma_start3A_100 = tpu.memref_slice %arg3[%add3A_99] : memref<160000xi32, #tpu.memory_space<hbm>> -> memref<112xi32, #tpu.memory_space<hbm>>
        %dma_start3A_101 = tpu.memref_slice %arg3[%add3A_99] : memref<160000xi32, #tpu.memory_space<hbm>> -> memref<112xi32, #tpu.memory_space<hbm>>
        tpu.enqueue_dma source(%dma_start3A_101 : memref<112xi32, #tpu.memory_space<hbm>>) target(%arg6 : memref<112xi32, #tpu.memory_space<vmem>>) target_semaphore(%arg12 : memref<!tpu.dma_semaphore, #tpu.memory_space<semaphore_mem>>)
      } else {
      }
    }
    %scan3A_14 = arith.constant 22 : i32
    %add3A_15 = arith.constant 4704 : i32
    %add3A_16 = arith.addi %mul3A_2, %add3A_15 : i32
    %dma_wait3A = arith.constant 0 : i32
    %dma_wait3A_17 = tpu.memref_slice %arg4[%add3A_16, %dma_wait3A] : memref<160000x128xf32, #tpu.memory_space<hbm>> -> memref<112x128xf32, #tpu.memory_space<hbm>>
    %dma_wait3A_18 = arith.constant 0 : i32
    %dma_wait3A_19 = tpu.memref_slice %arg4[%add3A_16, %dma_wait3A_18] : memref<160000x128xf32, #tpu.memory_space<hbm>> -> memref<112x128xf32, #tpu.memory_space<hbm>>
    tpu.wait_dma2 semaphore(%arg15 : memref<!tpu.dma_semaphore, #tpu.memory_space<semaphore_mem>>) src(%arg7 : memref<112x128xf32, #tpu.memory_space<vmem>>) dst(%dma_wait3A_19 : memref<112x128xf32, #tpu.memory_space<hbm>>)
    %add3A_20 = arith.constant 4816 : i32
    %add3A_21 = arith.addi %mul3A_2, %add3A_20 : i32
    %dma_wait3A_22 = arith.constant 0 : i32
    %dma_wait3A_23 = tpu.memref_slice %arg4[%add3A_21, %dma_wait3A_22] : memref<160000x128xf32, #tpu.memory_space<hbm>> -> memref<112x128xf32, #tpu.memory_space<hbm>>
    %dma_wait3A_24 = arith.constant 0 : i32
    %dma_wait3A_25 = tpu.memref_slice %arg4[%add3A_21, %dma_wait3A_24] : memref<160000x128xf32, #tpu.memory_space<hbm>> -> memref<112x128xf32, #tpu.memory_space<hbm>>
    tpu.wait_dma2 semaphore(%arg16 : memref<!tpu.dma_semaphore, #tpu.memory_space<semaphore_mem>>) src(%arg8 : memref<112x128xf32, #tpu.memory_space<vmem>>) dst(%dma_wait3A_25 : memref<112x128xf32, #tpu.memory_space<hbm>>)
    %add3A_26 = arith.constant 4928 : i32
    %add3A_27 = arith.addi %mul3A_2, %add3A_26 : i32
    "tpu.region"() ({
      %run_scoped3A = tpu.sem_alloc : memref<!tpu.dma_semaphore, #tpu.memory_space<semaphore_mem>>
      %dma_start3A_34 = tpu.memref_slice %arg3[%add3A_27] : memref<160000xi32, #tpu.memory_space<hbm>> -> memref<72xi32, #tpu.memory_space<hbm>>
      %dma_start3A_35 = tpu.memref_slice %arg3[%add3A_27] : memref<160000xi32, #tpu.memory_space<hbm>> -> memref<72xi32, #tpu.memory_space<hbm>>
      tpu.enqueue_dma source(%dma_start3A_35 : memref<72xi32, #tpu.memory_space<hbm>>) target(%arg9 : memref<72xi32, #tpu.memory_space<vmem>>) target_semaphore(%run_scoped3A : memref<!tpu.dma_semaphore, #tpu.memory_space<semaphore_mem>>)
      %dma_wait3A_36 = tpu.memref_slice %arg3[%add3A_27] : memref<160000xi32, #tpu.memory_space<hbm>> -> memref<72xi32, #tpu.memory_space<hbm>>
      %dma_wait3A_37 = tpu.memref_slice %arg3[%add3A_27] : memref<160000xi32, #tpu.memory_space<hbm>> -> memref<72xi32, #tpu.memory_space<hbm>>
      tpu.wait_dma2 semaphore(%run_scoped3A : memref<!tpu.dma_semaphore, #tpu.memory_space<semaphore_mem>>) src(%dma_wait3A_37 : memref<72xi32, #tpu.memory_space<hbm>>) dst(%arg9 : memref<72xi32, #tpu.memory_space<vmem>>)
      tpu.yield
    }) : () -> ()
    %dma_start3A_28 = arith.constant 0 : i32
    %dma_start3A_29 = arith.constant 0 : i32
    %dma_start3A_30 = tpu.memref_slice %arg2[%dma_start3A_28, %dma_start3A_29] : memref<10000x128xf32, #tpu.memory_space<hbm>> -> memref<10000x128xf32, #tpu.memory_space<hbm>>
    tpu.enqueue_indirect_dma source(%dma_start3A_30 : memref<10000x128xf32, #tpu.memory_space<hbm>>) target(%arg10 : memref<72x128xf32, #tpu.memory_space<vmem>>) offsets(%arg9 : memref<72xi32, #tpu.memory_space<vmem>>) semaphore(%arg13 : memref<!tpu.dma_semaphore, #tpu.memory_space<semaphore_mem>>)
    %dma_wait3A_31 = arith.constant 0 : i32
    %dma_wait3A_32 = arith.constant 0 : i32
    %dma_wait3A_33 = tpu.memref_slice %arg2[%dma_wait3A_31, %dma_wait3A_32] : memref<10000x128xf32, #tpu.memory_space<hbm>> -> memref<10000x128xf32, #tpu.memory_space<hbm>>
    tpu.wait_indirect_dma semaphore(%arg13 : memref<!tpu.dma_semaphore, #tpu.memory_space<semaphore_mem>>) src(%dma_wait3A_33 : memref<10000x128xf32, #tpu.memory_space<hbm>>) dst(%arg10 : memref<72x128xf32, #tpu.memory_space<vmem>>)
    "tpu.region"() ({
      %run_scoped3A = tpu.sem_alloc : memref<!tpu.dma_semaphore, #tpu.memory_space<semaphore_mem>>
      %dma_start3A_34 = arith.constant 0 : i32
      %dma_start3A_35 = tpu.memref_slice %arg4[%add3A_27, %dma_start3A_34] : memref<160000x128xf32, #tpu.memory_space<hbm>> -> memref<72x128xf32, #tpu.memory_space<hbm>>
      %dma_start3A_36 = arith.constant 0 : i32
      %dma_start3A_37 = tpu.memref_slice %arg4[%add3A_27, %dma_start3A_36] : memref<160000x128xf32, #tpu.memory_space<hbm>> -> memref<72x128xf32, #tpu.memory_space<hbm>>
      tpu.enqueue_dma source(%arg10 : memref<72x128xf32, #tpu.memory_space<vmem>>) target(%dma_start3A_37 : memref<72x128xf32, #tpu.memory_space<hbm>>) target_semaphore(%run_scoped3A : memref<!tpu.dma_semaphore, #tpu.memory_space<semaphore_mem>>)
      %dma_wait3A_38 = arith.constant 0 : i32
      %dma_wait3A_39 = tpu.memref_slice %arg4[%add3A_27, %dma_wait3A_38] : memref<160000x128xf32, #tpu.memory_space<hbm>> -> memref<72x128xf32, #tpu.memory_space<hbm>>
      %dma_wait3A_40 = arith.constant 0 : i32
      %dma_wait3A_41 = tpu.memref_slice %arg4[%add3A_27, %dma_wait3A_40] : memref<160000x128xf32, #tpu.memory_space<hbm>> -> memref<72x128xf32, #tpu.memory_space<hbm>>
      tpu.wait_dma2 semaphore(%run_scoped3A : memref<!tpu.dma_semaphore, #tpu.memory_space<semaphore_mem>>) src(%arg10 : memref<72x128xf32, #tpu.memory_space<vmem>>) dst(%dma_wait3A_41 : memref<72x128xf32, #tpu.memory_space<hbm>>)
      tpu.yield
    }) : () -> ()
    return
  }
}

#map = affine_map<(d0, d1) -> (0, 0)>
#map1 = affine_map<(d0, d1) -> (0)>
module attributes {stable_mosaic.version = 14 : i64} {
  func.func @k(%arg0: i32, %arg1: i32, %arg2: memref<10000x16xf32, #tpu.memory_space<hbm>>, %arg3: memref<160000xi32, #tpu.memory_space<hbm>>, %arg4: memref<160000x16xf32, #tpu.memory_space<hbm>>, %arg5: memref<112xi32, #tpu.memory_space<vmem>>, %arg6: memref<112xi32, #tpu.memory_space<vmem>>, %arg7: memref<112x16xf32, #tpu.memory_space<vmem>>, %arg8: memref<112x16xf32, #tpu.memory_space<vmem>>, %arg9: memref<72xi32, #tpu.memory_space<vmem>>, %arg10: memref<72x16xf32, #tpu.memory_space<vmem>>, %arg11: memref<!tpu.dma_semaphore, #tpu.memory_space<semaphore_mem>>, %arg12: memref<!tpu.dma_semaphore, #tpu.memory_space<semaphore_mem>>, %arg13: memref<!tpu.dma_semaphore, #tpu.memory_space<semaphore_mem>>, %arg14: memref<!tpu.dma_semaphore, #tpu.memory_space<semaphore_mem>>, %arg15: memref<!tpu.dma_semaphore, #tpu.memory_space<semaphore_mem>>, %arg16: memref<!tpu.dma_semaphore, #tpu.memory_space<semaphore_mem>>) attributes {dimension_semantics = [#tpu.dimension_semantics<core_parallel>, #tpu.dimension_semantics<subcore_parallel>], iteration_bounds = array<i64: 2, 16>, scalar_prefetch = 0 : i64, scratch_operands = 12 : i64, tpu.core_type = #tpu.core_type<sc_vector_subcore>, window_params = [{transform_indices = #map}, {transform_indices = #map1}, {transform_indices = #map}]} {
    %mul3A = arith.constant 2 : i32
    %mul3A_0 = arith.muli %arg1, %mul3A : i32
    %add3A = arith.addi %mul3A_0, %arg0 : i32
    %mul3A_1 = arith.constant 5000 : i32
    %mul3A_2 = arith.muli %add3A, %mul3A_1 : i32
    %add3A_3 = arith.constant 0 : i32
    %add3A_4 = arith.addi %mul3A_2, %add3A_3 : i32
    %dma_start3A = tpu.memref_slice %arg3[%add3A_4] : memref<160000xi32, #tpu.memory_space<hbm>> -> memref<112xi32, #tpu.memory_space<hbm>>
    %dma_start3A_5 = tpu.memref_slice %arg3[%add3A_4] : memref<160000xi32, #tpu.memory_space<hbm>> -> memref<112xi32, #tpu.memory_space<hbm>>
    tpu.enqueue_dma source(%dma_start3A_5 : memref<112xi32, #tpu.memory_space<hbm>>) target(%arg5 : memref<112xi32, #tpu.memory_space<vmem>>) target_semaphore(%arg11 : memref<!tpu.dma_semaphore, #tpu.memory_space<semaphore_mem>>)
    %add3A_6 = arith.constant 112 : i32
    %add3A_7 = arith.addi %mul3A_2, %add3A_6 : i32
    %dma_start3A_8 = tpu.memref_slice %arg3[%add3A_7] : memref<160000xi32, #tpu.memory_space<hbm>> -> memref<112xi32, #tpu.memory_space<hbm>>
    %dma_start3A_9 = tpu.memref_slice %arg3[%add3A_7] : memref<160000xi32, #tpu.memory_space<hbm>> -> memref<112xi32, #tpu.memory_space<hbm>>
    tpu.enqueue_dma source(%dma_start3A_9 : memref<112xi32, #tpu.memory_space<hbm>>) target(%arg6 : memref<112xi32, #tpu.memory_space<vmem>>) target_semaphore(%arg12 : memref<!tpu.dma_semaphore, #tpu.memory_space<semaphore_mem>>)
    %scan3A = arith.constant 0 : i32
    %scan3A_10 = arith.constant 0 : i32
    %scan3A_11 = arith.constant 22 : i32
    %scan3A_12 = arith.addi %scan3A_10, %scan3A_11 : i32
    %scan3A_13 = arith.constant 1 : i32
    scf.for %scan3A_34 = %scan3A_10 to %scan3A_12 step %scan3A_13  : i32 {
      %mul3A_35 = arith.constant 2 : i32
      %mul3A_36 = arith.muli %mul3A_35, %scan3A_34 : i32
      %add3A_37 = arith.constant 0 : i32
      %add3A_38 = arith.addi %mul3A_36, %add3A_37 : i32
      %mul3A_39 = arith.constant 112 : i32
      %mul3A_40 = arith.muli %add3A_38, %mul3A_39 : i32
      %add3A_41 = arith.addi %mul3A_2, %mul3A_40 : i32
      %dma_wait3A_42 = tpu.memref_slice %arg3[%add3A_41] : memref<160000xi32, #tpu.memory_space<hbm>> -> memref<112xi32, #tpu.memory_space<hbm>>
      %dma_wait3A_43 = tpu.memref_slice %arg3[%add3A_41] : memref<160000xi32, #tpu.memory_space<hbm>> -> memref<112xi32, #tpu.memory_space<hbm>>
      tpu.wait_dma2 semaphore(%arg11 : memref<!tpu.dma_semaphore, #tpu.memory_space<semaphore_mem>>) src(%dma_wait3A_43 : memref<112xi32, #tpu.memory_space<hbm>>) dst(%arg5 : memref<112xi32, #tpu.memory_space<vmem>>)
      %gt3A = arith.constant 0 : i32
      %gt3A_44 = arith.cmpi sgt, %scan3A_34, %gt3A : i32
      %convert_element_type3A = arith.extui %gt3A_44 : i1 to i32
      %cond3A = arith.constant 0 : i32
      %cond3A_45 = arith.cmpi ne, %convert_element_type3A, %cond3A : i32
      scf.if %cond3A_45 {
        %sub3A = arith.constant 2 : i32
        %sub3A_95 = arith.subi %add3A_38, %sub3A : i32
        %mul3A_96 = arith.constant 112 : i32
        %mul3A_97 = arith.muli %sub3A_95, %mul3A_96 : i32
        %add3A_98 = arith.addi %mul3A_2, %mul3A_97 : i32
        %dma_wait3A_99 = arith.constant 0 : i32
        %dma_wait3A_100 = tpu.memref_slice %arg4[%add3A_98, %dma_wait3A_99] : memref<160000x16xf32, #tpu.memory_space<hbm>> -> memref<112x16xf32, #tpu.memory_space<hbm>>
        %dma_wait3A_101 = arith.constant 0 : i32
        %dma_wait3A_102 = tpu.memref_slice %arg4[%add3A_98, %dma_wait3A_101] : memref<160000x16xf32, #tpu.memory_space<hbm>> -> memref<112x16xf32, #tpu.memory_space<hbm>>
        tpu.wait_dma2 semaphore(%arg15 : memref<!tpu.dma_semaphore, #tpu.memory_space<semaphore_mem>>) src(%arg7 : memref<112x16xf32, #tpu.memory_space<vmem>>) dst(%dma_wait3A_102 : memref<112x16xf32, #tpu.memory_space<hbm>>)
      } else {
      }
      %dma_start3A_46 = arith.constant 0 : i32
      %dma_start3A_47 = arith.constant 0 : i32
      %dma_start3A_48 = tpu.memref_slice %arg2[%dma_start3A_46, %dma_start3A_47] : memref<10000x16xf32, #tpu.memory_space<hbm>> -> memref<10000x16xf32, #tpu.memory_space<hbm>>
      tpu.enqueue_indirect_dma source(%dma_start3A_48 : memref<10000x16xf32, #tpu.memory_space<hbm>>) target(%arg7 : memref<112x16xf32, #tpu.memory_space<vmem>>) offsets(%arg5 : memref<112xi32, #tpu.memory_space<vmem>>) semaphore(%arg13 : memref<!tpu.dma_semaphore, #tpu.memory_space<semaphore_mem>>)
      %dma_wait3A_49 = arith.constant 0 : i32
      %dma_wait3A_50 = arith.constant 0 : i32
      %dma_wait3A_51 = tpu.memref_slice %arg2[%dma_wait3A_49, %dma_wait3A_50] : memref<10000x16xf32, #tpu.memory_space<hbm>> -> memref<10000x16xf32, #tpu.memory_space<hbm>>
      tpu.wait_indirect_dma semaphore(%arg13 : memref<!tpu.dma_semaphore, #tpu.memory_space<semaphore_mem>>) src(%dma_wait3A_51 : memref<10000x16xf32, #tpu.memory_space<hbm>>) dst(%arg7 : memref<112x16xf32, #tpu.memory_space<vmem>>)
      %mul3A_52 = arith.constant 112 : i32
      %mul3A_53 = arith.muli %add3A_38, %mul3A_52 : i32
      %add3A_54 = arith.addi %mul3A_2, %mul3A_53 : i32
      %dma_start3A_55 = arith.constant 0 : i32
      %dma_start3A_56 = tpu.memref_slice %arg4[%add3A_54, %dma_start3A_55] : memref<160000x16xf32, #tpu.memory_space<hbm>> -> memref<112x16xf32, #tpu.memory_space<hbm>>
      %dma_start3A_57 = arith.constant 0 : i32
      %dma_start3A_58 = tpu.memref_slice %arg4[%add3A_54, %dma_start3A_57] : memref<160000x16xf32, #tpu.memory_space<hbm>> -> memref<112x16xf32, #tpu.memory_space<hbm>>
      tpu.enqueue_dma source(%arg7 : memref<112x16xf32, #tpu.memory_space<vmem>>) target(%dma_start3A_58 : memref<112x16xf32, #tpu.memory_space<hbm>>) target_semaphore(%arg15 : memref<!tpu.dma_semaphore, #tpu.memory_space<semaphore_mem>>)
      %lt3A = arith.constant 21 : i32
      %lt3A_59 = arith.cmpi slt, %scan3A_34, %lt3A : i32
      %convert_element_type3A_60 = arith.extui %lt3A_59 : i1 to i32
      %cond3A_61 = arith.constant 0 : i32
      %cond3A_62 = arith.cmpi ne, %convert_element_type3A_60, %cond3A_61 : i32
      scf.if %cond3A_62 {
        %add3A_95 = arith.constant 2 : i32
        %add3A_96 = arith.addi %add3A_38, %add3A_95 : i32
        %mul3A_97 = arith.constant 112 : i32
        %mul3A_98 = arith.muli %add3A_96, %mul3A_97 : i32
        %add3A_99 = arith.addi %mul3A_2, %mul3A_98 : i32
        %dma_start3A_100 = tpu.memref_slice %arg3[%add3A_99] : memref<160000xi32, #tpu.memory_space<hbm>> -> memref<112xi32, #tpu.memory_space<hbm>>
        %dma_start3A_101 = tpu.memref_slice %arg3[%add3A_99] : memref<160000xi32, #tpu.memory_space<hbm>> -> memref<112xi32, #tpu.memory_space<hbm>>
        tpu.enqueue_dma source(%dma_start3A_101 : memref<112xi32, #tpu.memory_space<hbm>>) target(%arg5 : memref<112xi32, #tpu.memory_space<vmem>>) target_semaphore(%arg11 : memref<!tpu.dma_semaphore, #tpu.memory_space<semaphore_mem>>)
      } else {
      }
      %mul3A_63 = arith.constant 2 : i32
      %mul3A_64 = arith.muli %mul3A_63, %scan3A_34 : i32
      %add3A_65 = arith.constant 1 : i32
      %add3A_66 = arith.addi %mul3A_64, %add3A_65 : i32
      %mul3A_67 = arith.constant 112 : i32
      %mul3A_68 = arith.muli %add3A_66, %mul3A_67 : i32
      %add3A_69 = arith.addi %mul3A_2, %mul3A_68 : i32
      %dma_wait3A_70 = tpu.memref_slice %arg3[%add3A_69] : memref<160000xi32, #tpu.memory_space<hbm>> -> memref<112xi32, #tpu.memory_space<hbm>>
      %dma_wait3A_71 = tpu.memref_slice %arg3[%add3A_69] : memref<160000xi32, #tpu.memory_space<hbm>> -> memref<112xi32, #tpu.memory_space<hbm>>
      tpu.wait_dma2 semaphore(%arg12 : memref<!tpu.dma_semaphore, #tpu.memory_space<semaphore_mem>>) src(%dma_wait3A_71 : memref<112xi32, #tpu.memory_space<hbm>>) dst(%arg6 : memref<112xi32, #tpu.memory_space<vmem>>)
      %gt3A_72 = arith.constant 0 : i32
      %gt3A_73 = arith.cmpi sgt, %scan3A_34, %gt3A_72 : i32
      %convert_element_type3A_74 = arith.extui %gt3A_73 : i1 to i32
      %cond3A_75 = arith.constant 0 : i32
      %cond3A_76 = arith.cmpi ne, %convert_element_type3A_74, %cond3A_75 : i32
      scf.if %cond3A_76 {
        %sub3A = arith.constant 2 : i32
        %sub3A_95 = arith.subi %add3A_66, %sub3A : i32
        %mul3A_96 = arith.constant 112 : i32
        %mul3A_97 = arith.muli %sub3A_95, %mul3A_96 : i32
        %add3A_98 = arith.addi %mul3A_2, %mul3A_97 : i32
        %dma_wait3A_99 = arith.constant 0 : i32
        %dma_wait3A_100 = tpu.memref_slice %arg4[%add3A_98, %dma_wait3A_99] : memref<160000x16xf32, #tpu.memory_space<hbm>> -> memref<112x16xf32, #tpu.memory_space<hbm>>
        %dma_wait3A_101 = arith.constant 0 : i32
        %dma_wait3A_102 = tpu.memref_slice %arg4[%add3A_98, %dma_wait3A_101] : memref<160000x16xf32, #tpu.memory_space<hbm>> -> memref<112x16xf32, #tpu.memory_space<hbm>>
        tpu.wait_dma2 semaphore(%arg16 : memref<!tpu.dma_semaphore, #tpu.memory_space<semaphore_mem>>) src(%arg8 : memref<112x16xf32, #tpu.memory_space<vmem>>) dst(%dma_wait3A_102 : memref<112x16xf32, #tpu.memory_space<hbm>>)
      } else {
      }
      %dma_start3A_77 = arith.constant 0 : i32
      %dma_start3A_78 = arith.constant 0 : i32
      %dma_start3A_79 = tpu.memref_slice %arg2[%dma_start3A_77, %dma_start3A_78] : memref<10000x16xf32, #tpu.memory_space<hbm>> -> memref<10000x16xf32, #tpu.memory_space<hbm>>
      tpu.enqueue_indirect_dma source(%dma_start3A_79 : memref<10000x16xf32, #tpu.memory_space<hbm>>) target(%arg8 : memref<112x16xf32, #tpu.memory_space<vmem>>) offsets(%arg6 : memref<112xi32, #tpu.memory_space<vmem>>) semaphore(%arg14 : memref<!tpu.dma_semaphore, #tpu.memory_space<semaphore_mem>>)
      %dma_wait3A_80 = arith.constant 0 : i32
      %dma_wait3A_81 = arith.constant 0 : i32
      %dma_wait3A_82 = tpu.memref_slice %arg2[%dma_wait3A_80, %dma_wait3A_81] : memref<10000x16xf32, #tpu.memory_space<hbm>> -> memref<10000x16xf32, #tpu.memory_space<hbm>>
      tpu.wait_indirect_dma semaphore(%arg14 : memref<!tpu.dma_semaphore, #tpu.memory_space<semaphore_mem>>) src(%dma_wait3A_82 : memref<10000x16xf32, #tpu.memory_space<hbm>>) dst(%arg8 : memref<112x16xf32, #tpu.memory_space<vmem>>)
      %mul3A_83 = arith.constant 112 : i32
      %mul3A_84 = arith.muli %add3A_66, %mul3A_83 : i32
      %add3A_85 = arith.addi %mul3A_2, %mul3A_84 : i32
      %dma_start3A_86 = arith.constant 0 : i32
      %dma_start3A_87 = tpu.memref_slice %arg4[%add3A_85, %dma_start3A_86] : memref<160000x16xf32, #tpu.memory_space<hbm>> -> memref<112x16xf32, #tpu.memory_space<hbm>>
      %dma_start3A_88 = arith.constant 0 : i32
      %dma_start3A_89 = tpu.memref_slice %arg4[%add3A_85, %dma_start3A_88] : memref<160000x16xf32, #tpu.memory_space<hbm>> -> memref<112x16xf32, #tpu.memory_space<hbm>>
      tpu.enqueue_dma source(%arg8 : memref<112x16xf32, #tpu.memory_space<vmem>>) target(%dma_start3A_89 : memref<112x16xf32, #tpu.memory_space<hbm>>) target_semaphore(%arg16 : memref<!tpu.dma_semaphore, #tpu.memory_space<semaphore_mem>>)
      %lt3A_90 = arith.constant 21 : i32
      %lt3A_91 = arith.cmpi slt, %scan3A_34, %lt3A_90 : i32
      %convert_element_type3A_92 = arith.extui %lt3A_91 : i1 to i32
      %cond3A_93 = arith.constant 0 : i32
      %cond3A_94 = arith.cmpi ne, %convert_element_type3A_92, %cond3A_93 : i32
      scf.if %cond3A_94 {
        %add3A_95 = arith.constant 2 : i32
        %add3A_96 = arith.addi %add3A_66, %add3A_95 : i32
        %mul3A_97 = arith.constant 112 : i32
        %mul3A_98 = arith.muli %add3A_96, %mul3A_97 : i32
        %add3A_99 = arith.addi %mul3A_2, %mul3A_98 : i32
        %dma_start3A_100 = tpu.memref_slice %arg3[%add3A_99] : memref<160000xi32, #tpu.memory_space<hbm>> -> memref<112xi32, #tpu.memory_space<hbm>>
        %dma_start3A_101 = tpu.memref_slice %arg3[%add3A_99] : memref<160000xi32, #tpu.memory_space<hbm>> -> memref<112xi32, #tpu.memory_space<hbm>>
        tpu.enqueue_dma source(%dma_start3A_101 : memref<112xi32, #tpu.memory_space<hbm>>) target(%arg6 : memref<112xi32, #tpu.memory_space<vmem>>) target_semaphore(%arg12 : memref<!tpu.dma_semaphore, #tpu.memory_space<semaphore_mem>>)
      } else {
      }
    }
    %scan3A_14 = arith.constant 22 : i32
    %add3A_15 = arith.constant 4704 : i32
    %add3A_16 = arith.addi %mul3A_2, %add3A_15 : i32
    %dma_wait3A = arith.constant 0 : i32
    %dma_wait3A_17 = tpu.memref_slice %arg4[%add3A_16, %dma_wait3A] : memref<160000x16xf32, #tpu.memory_space<hbm>> -> memref<112x16xf32, #tpu.memory_space<hbm>>
    %dma_wait3A_18 = arith.constant 0 : i32
    %dma_wait3A_19 = tpu.memref_slice %arg4[%add3A_16, %dma_wait3A_18] : memref<160000x16xf32, #tpu.memory_space<hbm>> -> memref<112x16xf32, #tpu.memory_space<hbm>>
    tpu.wait_dma2 semaphore(%arg15 : memref<!tpu.dma_semaphore, #tpu.memory_space<semaphore_mem>>) src(%arg7 : memref<112x16xf32, #tpu.memory_space<vmem>>) dst(%dma_wait3A_19 : memref<112x16xf32, #tpu.memory_space<hbm>>)
    %add3A_20 = arith.constant 4816 : i32
    %add3A_21 = arith.addi %mul3A_2, %add3A_20 : i32
    %dma_wait3A_22 = arith.constant 0 : i32
    %dma_wait3A_23 = tpu.memref_slice %arg4[%add3A_21, %dma_wait3A_22] : memref<160000x16xf32, #tpu.memory_space<hbm>> -> memref<112x16xf32, #tpu.memory_space<hbm>>
    %dma_wait3A_24 = arith.constant 0 : i32
    %dma_wait3A_25 = tpu.memref_slice %arg4[%add3A_21, %dma_wait3A_24] : memref<160000x16xf32, #tpu.memory_space<hbm>> -> memref<112x16xf32, #tpu.memory_space<hbm>>
    tpu.wait_dma2 semaphore(%arg16 : memref<!tpu.dma_semaphore, #tpu.memory_space<semaphore_mem>>) src(%arg8 : memref<112x16xf32, #tpu.memory_space<vmem>>) dst(%dma_wait3A_25 : memref<112x16xf32, #tpu.memory_space<hbm>>)
    %add3A_26 = arith.constant 4928 : i32
    %add3A_27 = arith.addi %mul3A_2, %add3A_26 : i32
    "tpu.region"() ({
      %run_scoped3A = tpu.sem_alloc : memref<!tpu.dma_semaphore, #tpu.memory_space<semaphore_mem>>
      %dma_start3A_34 = tpu.memref_slice %arg3[%add3A_27] : memref<160000xi32, #tpu.memory_space<hbm>> -> memref<72xi32, #tpu.memory_space<hbm>>
      %dma_start3A_35 = tpu.memref_slice %arg3[%add3A_27] : memref<160000xi32, #tpu.memory_space<hbm>> -> memref<72xi32, #tpu.memory_space<hbm>>
      tpu.enqueue_dma source(%dma_start3A_35 : memref<72xi32, #tpu.memory_space<hbm>>) target(%arg9 : memref<72xi32, #tpu.memory_space<vmem>>) target_semaphore(%run_scoped3A : memref<!tpu.dma_semaphore, #tpu.memory_space<semaphore_mem>>)
      %dma_wait3A_36 = tpu.memref_slice %arg3[%add3A_27] : memref<160000xi32, #tpu.memory_space<hbm>> -> memref<72xi32, #tpu.memory_space<hbm>>
      %dma_wait3A_37 = tpu.memref_slice %arg3[%add3A_27] : memref<160000xi32, #tpu.memory_space<hbm>> -> memref<72xi32, #tpu.memory_space<hbm>>
      tpu.wait_dma2 semaphore(%run_scoped3A : memref<!tpu.dma_semaphore, #tpu.memory_space<semaphore_mem>>) src(%dma_wait3A_37 : memref<72xi32, #tpu.memory_space<hbm>>) dst(%arg9 : memref<72xi32, #tpu.memory_space<vmem>>)
      tpu.yield
    }) : () -> ()
    %dma_start3A_28 = arith.constant 0 : i32
    %dma_start3A_29 = arith.constant 0 : i32
    %dma_start3A_30 = tpu.memref_slice %arg2[%dma_start3A_28, %dma_start3A_29] : memref<10000x16xf32, #tpu.memory_space<hbm>> -> memref<10000x16xf32, #tpu.memory_space<hbm>>
    tpu.enqueue_indirect_dma source(%dma_start3A_30 : memref<10000x16xf32, #tpu.memory_space<hbm>>) target(%arg10 : memref<72x16xf32, #tpu.memory_space<vmem>>) offsets(%arg9 : memref<72xi32, #tpu.memory_space<vmem>>) semaphore(%arg13 : memref<!tpu.dma_semaphore, #tpu.memory_space<semaphore_mem>>)
    %dma_wait3A_31 = arith.constant 0 : i32
    %dma_wait3A_32 = arith.constant 0 : i32
    %dma_wait3A_33 = tpu.memref_slice %arg2[%dma_wait3A_31, %dma_wait3A_32] : memref<10000x16xf32, #tpu.memory_space<hbm>> -> memref<10000x16xf32, #tpu.memory_space<hbm>>
    tpu.wait_indirect_dma semaphore(%arg13 : memref<!tpu.dma_semaphore, #tpu.memory_space<semaphore_mem>>) src(%dma_wait3A_33 : memref<10000x16xf32, #tpu.memory_space<hbm>>) dst(%arg10 : memref<72x16xf32, #tpu.memory_space<vmem>>)
    "tpu.region"() ({
      %run_scoped3A = tpu.sem_alloc : memref<!tpu.dma_semaphore, #tpu.memory_space<semaphore_mem>>
      %dma_start3A_34 = arith.constant 0 : i32
      %dma_start3A_35 = tpu.memref_slice %arg4[%add3A_27, %dma_start3A_34] : memref<160000x16xf32, #tpu.memory_space<hbm>> -> memref<72x16xf32, #tpu.memory_space<hbm>>
      %dma_start3A_36 = arith.constant 0 : i32
      %dma_start3A_37 = tpu.memref_slice %arg4[%add3A_27, %dma_start3A_36] : memref<160000x16xf32, #tpu.memory_space<hbm>> -> memref<72x16xf32, #tpu.memory_space<hbm>>
      tpu.enqueue_dma source(%arg10 : memref<72x16xf32, #tpu.memory_space<vmem>>) target(%dma_start3A_37 : memref<72x16xf32, #tpu.memory_space<hbm>>) target_semaphore(%run_scoped3A : memref<!tpu.dma_semaphore, #tpu.memory_space<semaphore_mem>>)
      %dma_wait3A_38 = arith.constant 0 : i32
      %dma_wait3A_39 = tpu.memref_slice %arg4[%add3A_27, %dma_wait3A_38] : memref<160000x16xf32, #tpu.memory_space<hbm>> -> memref<72x16xf32, #tpu.memory_space<hbm>>
      %dma_wait3A_40 = arith.constant 0 : i32
      %dma_wait3A_41 = tpu.memref_slice %arg4[%add3A_27, %dma_wait3A_40] : memref<160000x16xf32, #tpu.memory_space<hbm>> -> memref<72x16xf32, #tpu.memory_space<hbm>>
      tpu.wait_dma2 semaphore(%run_scoped3A : memref<!tpu.dma_semaphore, #tpu.memory_space<semaphore_mem>>) src(%arg10 : memref<72x16xf32, #tpu.memory_space<vmem>>) dst(%dma_wait3A_41 : memref<72x16xf32, #tpu.memory_space<hbm>>)
      tpu.yield
    }) : () -> ()
    return
  }
}

#map = affine_map<(d0, d1) -> (0, 0)>
#map1 = affine_map<(d0, d1) -> (0)>
#map2 = affine_map<(d0, d1) -> (0, 0, 0)>
module attributes {stable_mosaic.version = 14 : i64} {
  func.func @k(%arg0: i32, %arg1: i32, %arg2: memref<160000x16xf32, #tpu.memory_space<hbm>>, %arg3: memref<160000xi32, #tpu.memory_space<hbm>>, %arg4: memref<625x16xf32, #tpu.memory_space<hbm>>, %arg5: memref<2x10000x16xf32, #tpu.memory_space<hbm>>, %arg6: memref<112xi32, #tpu.memory_space<vmem>>, %arg7: memref<112xi32, #tpu.memory_space<vmem>>, %arg8: memref<112x16xf32, #tpu.memory_space<vmem>>, %arg9: memref<112x16xf32, #tpu.memory_space<vmem>>, %arg10: memref<72xi32, #tpu.memory_space<vmem>>, %arg11: memref<72x16xf32, #tpu.memory_space<vmem>>, %arg12: memref<10000x16xf32, #tpu.memory_space<vmem_shared>>, %arg13: memref<!tpu.dma_semaphore, #tpu.memory_space<semaphore_mem>>, %arg14: memref<!tpu.dma_semaphore, #tpu.memory_space<semaphore_mem>>, %arg15: memref<!tpu.dma_semaphore, #tpu.memory_space<semaphore_mem>>, %arg16: memref<!tpu.dma_semaphore, #tpu.memory_space<semaphore_mem>>) attributes {dimension_semantics = [#tpu.dimension_semantics<core_parallel>, #tpu.dimension_semantics<subcore_parallel>], iteration_bounds = array<i64: 2, 16>, scalar_prefetch = 0 : i64, scratch_operands = 11 : i64, tpu.core_type = #tpu.core_type<sc_vector_subcore>, window_params = [{transform_indices = #map}, {transform_indices = #map1}, {transform_indices = #map}, {transform_indices = #map2}]} {
    %mul3A = arith.constant 625 : i32
    %mul3A_0 = arith.muli %arg1, %mul3A : i32
    "tpu.region"() ({
      %run_scoped3A = tpu.sem_alloc : memref<!tpu.dma_semaphore, #tpu.memory_space<semaphore_mem>>
      %dma_start3A_30 = arith.constant 0 : i32
      %dma_start3A_31 = tpu.memref_slice %arg12[%mul3A_0, %dma_start3A_30] : memref<10000x16xf32, #tpu.memory_space<vmem_shared>> -> memref<625x16xf32, #tpu.memory_space<vmem_shared>>
      tpu.enqueue_dma source(%arg4 : memref<625x16xf32, #tpu.memory_space<hbm>>) target(%dma_start3A_31 : memref<625x16xf32, #tpu.memory_space<vmem_shared>>) target_semaphore(%run_scoped3A : memref<!tpu.dma_semaphore, #tpu.memory_space<semaphore_mem>>)
      %dma_wait3A = arith.constant 0 : i32
      %dma_wait3A_32 = tpu.memref_slice %arg12[%mul3A_0, %dma_wait3A] : memref<10000x16xf32, #tpu.memory_space<vmem_shared>> -> memref<625x16xf32, #tpu.memory_space<vmem_shared>>
      tpu.wait_dma2 semaphore(%run_scoped3A : memref<!tpu.dma_semaphore, #tpu.memory_space<semaphore_mem>>) src(%arg4 : memref<625x16xf32, #tpu.memory_space<hbm>>) dst(%dma_wait3A_32 : memref<625x16xf32, #tpu.memory_space<vmem_shared>>)
      tpu.yield
    }) : () -> ()
    %barrier3A = arith.constant 0 : index
    tpu.barrier barrier_id(%barrier3A)
    %mul3A_1 = arith.constant 2 : i32
    %mul3A_2 = arith.muli %arg1, %mul3A_1 : i32
    %add3A = arith.addi %mul3A_2, %arg0 : i32
    %mul3A_3 = arith.constant 5000 : i32
    %mul3A_4 = arith.muli %add3A, %mul3A_3 : i32
    %add3A_5 = arith.constant 0 : i32
    %add3A_6 = arith.addi %mul3A_4, %add3A_5 : i32
    %dma_start3A = tpu.memref_slice %arg3[%add3A_6] : memref<160000xi32, #tpu.memory_space<hbm>> -> memref<112xi32, #tpu.memory_space<hbm>>
    %dma_start3A_7 = tpu.memref_slice %arg3[%add3A_6] : memref<160000xi32, #tpu.memory_space<hbm>> -> memref<112xi32, #tpu.memory_space<hbm>>
    tpu.enqueue_dma source(%dma_start3A_7 : memref<112xi32, #tpu.memory_space<hbm>>) target(%arg6 : memref<112xi32, #tpu.memory_space<vmem>>) target_semaphore(%arg13 : memref<!tpu.dma_semaphore, #tpu.memory_space<semaphore_mem>>)
    %dma_start3A_8 = arith.constant 0 : i32
    %dma_start3A_9 = tpu.memref_slice %arg2[%add3A_6, %dma_start3A_8] : memref<160000x16xf32, #tpu.memory_space<hbm>> -> memref<112x16xf32, #tpu.memory_space<hbm>>
    %dma_start3A_10 = arith.constant 0 : i32
    %dma_start3A_11 = tpu.memref_slice %arg2[%add3A_6, %dma_start3A_10] : memref<160000x16xf32, #tpu.memory_space<hbm>> -> memref<112x16xf32, #tpu.memory_space<hbm>>
    tpu.enqueue_dma source(%dma_start3A_11 : memref<112x16xf32, #tpu.memory_space<hbm>>) target(%arg8 : memref<112x16xf32, #tpu.memory_space<vmem>>) target_semaphore(%arg15 : memref<!tpu.dma_semaphore, #tpu.memory_space<semaphore_mem>>)
    %add3A_12 = arith.constant 112 : i32
    %add3A_13 = arith.addi %mul3A_4, %add3A_12 : i32
    %dma_start3A_14 = tpu.memref_slice %arg3[%add3A_13] : memref<160000xi32, #tpu.memory_space<hbm>> -> memref<112xi32, #tpu.memory_space<hbm>>
    %dma_start3A_15 = tpu.memref_slice %arg3[%add3A_13] : memref<160000xi32, #tpu.memory_space<hbm>> -> memref<112xi32, #tpu.memory_space<hbm>>
    tpu.enqueue_dma source(%dma_start3A_15 : memref<112xi32, #tpu.memory_space<hbm>>) target(%arg7 : memref<112xi32, #tpu.memory_space<vmem>>) target_semaphore(%arg14 : memref<!tpu.dma_semaphore, #tpu.memory_space<semaphore_mem>>)
    %dma_start3A_16 = arith.constant 0 : i32
    %dma_start3A_17 = tpu.memref_slice %arg2[%add3A_13, %dma_start3A_16] : memref<160000x16xf32, #tpu.memory_space<hbm>> -> memref<112x16xf32, #tpu.memory_space<hbm>>
    %dma_start3A_18 = arith.constant 0 : i32
    %dma_start3A_19 = tpu.memref_slice %arg2[%add3A_13, %dma_start3A_18] : memref<160000x16xf32, #tpu.memory_space<hbm>> -> memref<112x16xf32, #tpu.memory_space<hbm>>
    tpu.enqueue_dma source(%dma_start3A_19 : memref<112x16xf32, #tpu.memory_space<hbm>>) target(%arg9 : memref<112x16xf32, #tpu.memory_space<vmem>>) target_semaphore(%arg16 : memref<!tpu.dma_semaphore, #tpu.memory_space<semaphore_mem>>)
    %scan3A = arith.constant 0 : i32
    %scan3A_20 = arith.constant 0 : i32
    %scan3A_21 = arith.constant 22 : i32
    %scan3A_22 = arith.addi %scan3A_20, %scan3A_21 : i32
    %scan3A_23 = arith.constant 1 : i32
    scf.for %scan3A_30 = %scan3A_20 to %scan3A_22 step %scan3A_23  : i32 {
      %mul3A_31 = arith.constant 2 : i32
      %mul3A_32 = arith.muli %mul3A_31, %scan3A_30 : i32
      %add3A_33 = arith.constant 0 : i32
      %add3A_34 = arith.addi %mul3A_32, %add3A_33 : i32
      %mul3A_35 = arith.constant 112 : i32
      %mul3A_36 = arith.muli %add3A_34, %mul3A_35 : i32
      %add3A_37 = arith.addi %mul3A_4, %mul3A_36 : i32
      %dma_wait3A = tpu.memref_slice %arg3[%add3A_37] : memref<160000xi32, #tpu.memory_space<hbm>> -> memref<112xi32, #tpu.memory_space<hbm>>
      %dma_wait3A_38 = tpu.memref_slice %arg3[%add3A_37] : memref<160000xi32, #tpu.memory_space<hbm>> -> memref<112xi32, #tpu.memory_space<hbm>>
      tpu.wait_dma2 semaphore(%arg13 : memref<!tpu.dma_semaphore, #tpu.memory_space<semaphore_mem>>) src(%dma_wait3A_38 : memref<112xi32, #tpu.memory_space<hbm>>) dst(%arg6 : memref<112xi32, #tpu.memory_space<vmem>>)
      %dma_wait3A_39 = arith.constant 0 : i32
      %dma_wait3A_40 = tpu.memref_slice %arg2[%add3A_37, %dma_wait3A_39] : memref<160000x16xf32, #tpu.memory_space<hbm>> -> memref<112x16xf32, #tpu.memory_space<hbm>>
      %dma_wait3A_41 = arith.constant 0 : i32
      %dma_wait3A_42 = tpu.memref_slice %arg2[%add3A_37, %dma_wait3A_41] : memref<160000x16xf32, #tpu.memory_space<hbm>> -> memref<112x16xf32, #tpu.memory_space<hbm>>
      tpu.wait_dma2 semaphore(%arg15 : memref<!tpu.dma_semaphore, #tpu.memory_space<semaphore_mem>>) src(%dma_wait3A_42 : memref<112x16xf32, #tpu.memory_space<hbm>>) dst(%arg8 : memref<112x16xf32, #tpu.memory_space<vmem>>)
      "tpu.region"() ({
        %run_scoped3A = tpu.sem_alloc : memref<!tpu.dma_semaphore, #tpu.memory_space<semaphore_mem>>
        %dma_start3A_65 = arith.constant 0 : i32
        %dma_start3A_66 = arith.constant 0 : i32
        %dma_start3A_67 = tpu.memref_slice %arg12[%dma_start3A_65, %dma_start3A_66] : memref<10000x16xf32, #tpu.memory_space<vmem_shared>> -> memref<10000x16xf32, #tpu.memory_space<vmem_shared>>
        tpu.enqueue_indirect_dma source(%arg8 : memref<112x16xf32, #tpu.memory_space<vmem>>) target(%dma_start3A_67 : memref<10000x16xf32, #tpu.memory_space<vmem_shared>>) offsets(%arg6 : memref<112xi32, #tpu.memory_space<vmem>>) semaphore(%run_scoped3A : memref<!tpu.dma_semaphore, #tpu.memory_space<semaphore_mem>>) {add = true}
        %dma_wait3A_68 = arith.constant 0 : i32
        %dma_wait3A_69 = arith.constant 0 : i32
        %dma_wait3A_70 = tpu.memref_slice %arg12[%dma_wait3A_68, %dma_wait3A_69] : memref<10000x16xf32, #tpu.memory_space<vmem_shared>> -> memref<10000x16xf32, #tpu.memory_space<vmem_shared>>
        tpu.wait_indirect_dma semaphore(%run_scoped3A : memref<!tpu.dma_semaphore, #tpu.memory_space<semaphore_mem>>) src(%arg8 : memref<112x16xf32, #tpu.memory_space<vmem>>) dst(%dma_wait3A_70 : memref<10000x16xf32, #tpu.memory_space<vmem_shared>>)
        tpu.yield
      }) : () -> ()
      %lt3A = arith.constant 21 : i32
      %lt3A_43 = arith.cmpi slt, %scan3A_30, %lt3A : i32
      %convert_element_type3A_44 = arith.extui %lt3A_43 : i1 to i32
      %cond3A_45 = arith.constant 0 : i32
      %cond3A_46 = arith.cmpi ne, %convert_element_type3A_44, %cond3A_45 : i32
      scf.if %cond3A_46 {
        %add3A_65 = arith.constant 2 : i32
        %add3A_66 = arith.addi %add3A_34, %add3A_65 : i32
        %mul3A_67 = arith.constant 112 : i32
        %mul3A_68 = arith.muli %add3A_66, %mul3A_67 : i32
        %add3A_69 = arith.addi %mul3A_4, %mul3A_68 : i32
        %dma_start3A_70 = tpu.memref_slice %arg3[%add3A_69] : memref<160000xi32, #tpu.memory_space<hbm>> -> memref<112xi32, #tpu.memory_space<hbm>>
        %dma_start3A_71 = tpu.memref_slice %arg3[%add3A_69] : memref<160000xi32, #tpu.memory_space<hbm>> -> memref<112xi32, #tpu.memory_space<hbm>>
        tpu.enqueue_dma source(%dma_start3A_71 : memref<112xi32, #tpu.memory_space<hbm>>) target(%arg6 : memref<112xi32, #tpu.memory_space<vmem>>) target_semaphore(%arg13 : memref<!tpu.dma_semaphore, #tpu.memory_space<semaphore_mem>>)
        %dma_start3A_72 = arith.constant 0 : i32
        %dma_start3A_73 = tpu.memref_slice %arg2[%add3A_69, %dma_start3A_72] : memref<160000x16xf32, #tpu.memory_space<hbm>> -> memref<112x16xf32, #tpu.memory_space<hbm>>
        %dma_start3A_74 = arith.constant 0 : i32
        %dma_start3A_75 = tpu.memref_slice %arg2[%add3A_69, %dma_start3A_74] : memref<160000x16xf32, #tpu.memory_space<hbm>> -> memref<112x16xf32, #tpu.memory_space<hbm>>
        tpu.enqueue_dma source(%dma_start3A_75 : memref<112x16xf32, #tpu.memory_space<hbm>>) target(%arg8 : memref<112x16xf32, #tpu.memory_space<vmem>>) target_semaphore(%arg15 : memref<!tpu.dma_semaphore, #tpu.memory_space<semaphore_mem>>)
      } else {
      }
      %mul3A_47 = arith.constant 2 : i32
      %mul3A_48 = arith.muli %mul3A_47, %scan3A_30 : i32
      %add3A_49 = arith.constant 1 : i32
      %add3A_50 = arith.addi %mul3A_48, %add3A_49 : i32
      %mul3A_51 = arith.constant 112 : i32
      %mul3A_52 = arith.muli %add3A_50, %mul3A_51 : i32
      %add3A_53 = arith.addi %mul3A_4, %mul3A_52 : i32
      %dma_wait3A_54 = tpu.memref_slice %arg3[%add3A_53] : memref<160000xi32, #tpu.memory_space<hbm>> -> memref<112xi32, #tpu.memory_space<hbm>>
      %dma_wait3A_55 = tpu.memref_slice %arg3[%add3A_53] : memref<160000xi32, #tpu.memory_space<hbm>> -> memref<112xi32, #tpu.memory_space<hbm>>
      tpu.wait_dma2 semaphore(%arg14 : memref<!tpu.dma_semaphore, #tpu.memory_space<semaphore_mem>>) src(%dma_wait3A_55 : memref<112xi32, #tpu.memory_space<hbm>>) dst(%arg7 : memref<112xi32, #tpu.memory_space<vmem>>)
      %dma_wait3A_56 = arith.constant 0 : i32
      %dma_wait3A_57 = tpu.memref_slice %arg2[%add3A_53, %dma_wait3A_56] : memref<160000x16xf32, #tpu.memory_space<hbm>> -> memref<112x16xf32, #tpu.memory_space<hbm>>
      %dma_wait3A_58 = arith.constant 0 : i32
      %dma_wait3A_59 = tpu.memref_slice %arg2[%add3A_53, %dma_wait3A_58] : memref<160000x16xf32, #tpu.memory_space<hbm>> -> memref<112x16xf32, #tpu.memory_space<hbm>>
      tpu.wait_dma2 semaphore(%arg16 : memref<!tpu.dma_semaphore, #tpu.memory_space<semaphore_mem>>) src(%dma_wait3A_59 : memref<112x16xf32, #tpu.memory_space<hbm>>) dst(%arg9 : memref<112x16xf32, #tpu.memory_space<vmem>>)
      "tpu.region"() ({
        %run_scoped3A = tpu.sem_alloc : memref<!tpu.dma_semaphore, #tpu.memory_space<semaphore_mem>>
        %dma_start3A_65 = arith.constant 0 : i32
        %dma_start3A_66 = arith.constant 0 : i32
        %dma_start3A_67 = tpu.memref_slice %arg12[%dma_start3A_65, %dma_start3A_66] : memref<10000x16xf32, #tpu.memory_space<vmem_shared>> -> memref<10000x16xf32, #tpu.memory_space<vmem_shared>>
        tpu.enqueue_indirect_dma source(%arg9 : memref<112x16xf32, #tpu.memory_space<vmem>>) target(%dma_start3A_67 : memref<10000x16xf32, #tpu.memory_space<vmem_shared>>) offsets(%arg7 : memref<112xi32, #tpu.memory_space<vmem>>) semaphore(%run_scoped3A : memref<!tpu.dma_semaphore, #tpu.memory_space<semaphore_mem>>) {add = true}
        %dma_wait3A_68 = arith.constant 0 : i32
        %dma_wait3A_69 = arith.constant 0 : i32
        %dma_wait3A_70 = tpu.memref_slice %arg12[%dma_wait3A_68, %dma_wait3A_69] : memref<10000x16xf32, #tpu.memory_space<vmem_shared>> -> memref<10000x16xf32, #tpu.memory_space<vmem_shared>>
        tpu.wait_indirect_dma semaphore(%run_scoped3A : memref<!tpu.dma_semaphore, #tpu.memory_space<semaphore_mem>>) src(%arg9 : memref<112x16xf32, #tpu.memory_space<vmem>>) dst(%dma_wait3A_70 : memref<10000x16xf32, #tpu.memory_space<vmem_shared>>)
        tpu.yield
      }) : () -> ()
      %lt3A_60 = arith.constant 21 : i32
      %lt3A_61 = arith.cmpi slt, %scan3A_30, %lt3A_60 : i32
      %convert_element_type3A_62 = arith.extui %lt3A_61 : i1 to i32
      %cond3A_63 = arith.constant 0 : i32
      %cond3A_64 = arith.cmpi ne, %convert_element_type3A_62, %cond3A_63 : i32
      scf.if %cond3A_64 {
        %add3A_65 = arith.constant 2 : i32
        %add3A_66 = arith.addi %add3A_50, %add3A_65 : i32
        %mul3A_67 = arith.constant 112 : i32
        %mul3A_68 = arith.muli %add3A_66, %mul3A_67 : i32
        %add3A_69 = arith.addi %mul3A_4, %mul3A_68 : i32
        %dma_start3A_70 = tpu.memref_slice %arg3[%add3A_69] : memref<160000xi32, #tpu.memory_space<hbm>> -> memref<112xi32, #tpu.memory_space<hbm>>
        %dma_start3A_71 = tpu.memref_slice %arg3[%add3A_69] : memref<160000xi32, #tpu.memory_space<hbm>> -> memref<112xi32, #tpu.memory_space<hbm>>
        tpu.enqueue_dma source(%dma_start3A_71 : memref<112xi32, #tpu.memory_space<hbm>>) target(%arg7 : memref<112xi32, #tpu.memory_space<vmem>>) target_semaphore(%arg14 : memref<!tpu.dma_semaphore, #tpu.memory_space<semaphore_mem>>)
        %dma_start3A_72 = arith.constant 0 : i32
        %dma_start3A_73 = tpu.memref_slice %arg2[%add3A_69, %dma_start3A_72] : memref<160000x16xf32, #tpu.memory_space<hbm>> -> memref<112x16xf32, #tpu.memory_space<hbm>>
        %dma_start3A_74 = arith.constant 0 : i32
        %dma_start3A_75 = tpu.memref_slice %arg2[%add3A_69, %dma_start3A_74] : memref<160000x16xf32, #tpu.memory_space<hbm>> -> memref<112x16xf32, #tpu.memory_space<hbm>>
        tpu.enqueue_dma source(%dma_start3A_75 : memref<112x16xf32, #tpu.memory_space<hbm>>) target(%arg9 : memref<112x16xf32, #tpu.memory_space<vmem>>) target_semaphore(%arg16 : memref<!tpu.dma_semaphore, #tpu.memory_space<semaphore_mem>>)
      } else {
      }
    }
    %scan3A_24 = arith.constant 22 : i32
    %add3A_25 = arith.constant 4928 : i32
    %add3A_26 = arith.addi %mul3A_4, %add3A_25 : i32
    "tpu.region"() ({
      %run_scoped3A = tpu.sem_alloc : memref<!tpu.dma_semaphore, #tpu.memory_space<semaphore_mem>>
      %dma_start3A_30 = tpu.memref_slice %arg3[%add3A_26] : memref<160000xi32, #tpu.memory_space<hbm>> -> memref<72xi32, #tpu.memory_space<hbm>>
      %dma_start3A_31 = tpu.memref_slice %arg3[%add3A_26] : memref<160000xi32, #tpu.memory_space<hbm>> -> memref<72xi32, #tpu.memory_space<hbm>>
      tpu.enqueue_dma source(%dma_start3A_31 : memref<72xi32, #tpu.memory_space<hbm>>) target(%arg10 : memref<72xi32, #tpu.memory_space<vmem>>) target_semaphore(%run_scoped3A : memref<!tpu.dma_semaphore, #tpu.memory_space<semaphore_mem>>)
      %dma_wait3A = tpu.memref_slice %arg3[%add3A_26] : memref<160000xi32, #tpu.memory_space<hbm>> -> memref<72xi32, #tpu.memory_space<hbm>>
      %dma_wait3A_32 = tpu.memref_slice %arg3[%add3A_26] : memref<160000xi32, #tpu.memory_space<hbm>> -> memref<72xi32, #tpu.memory_space<hbm>>
      tpu.wait_dma2 semaphore(%run_scoped3A : memref<!tpu.dma_semaphore, #tpu.memory_space<semaphore_mem>>) src(%dma_wait3A_32 : memref<72xi32, #tpu.memory_space<hbm>>) dst(%arg10 : memref<72xi32, #tpu.memory_space<vmem>>)
      tpu.yield
    }) : () -> ()
    "tpu.region"() ({
      %run_scoped3A = tpu.sem_alloc : memref<!tpu.dma_semaphore, #tpu.memory_space<semaphore_mem>>
      %dma_start3A_30 = arith.constant 0 : i32
      %dma_start3A_31 = tpu.memref_slice %arg2[%add3A_26, %dma_start3A_30] : memref<160000x16xf32, #tpu.memory_space<hbm>> -> memref<72x16xf32, #tpu.memory_space<hbm>>
      %dma_start3A_32 = arith.constant 0 : i32
      %dma_start3A_33 = tpu.memref_slice %arg2[%add3A_26, %dma_start3A_32] : memref<160000x16xf32, #tpu.memory_space<hbm>> -> memref<72x16xf32, #tpu.memory_space<hbm>>
      tpu.enqueue_dma source(%dma_start3A_33 : memref<72x16xf32, #tpu.memory_space<hbm>>) target(%arg11 : memref<72x16xf32, #tpu.memory_space<vmem>>) target_semaphore(%run_scoped3A : memref<!tpu.dma_semaphore, #tpu.memory_space<semaphore_mem>>)
      %dma_wait3A = arith.constant 0 : i32
      %dma_wait3A_34 = tpu.memref_slice %arg2[%add3A_26, %dma_wait3A] : memref<160000x16xf32, #tpu.memory_space<hbm>> -> memref<72x16xf32, #tpu.memory_space<hbm>>
      %dma_wait3A_35 = arith.constant 0 : i32
      %dma_wait3A_36 = tpu.memref_slice %arg2[%add3A_26, %dma_wait3A_35] : memref<160000x16xf32, #tpu.memory_space<hbm>> -> memref<72x16xf32, #tpu.memory_space<hbm>>
      tpu.wait_dma2 semaphore(%run_scoped3A : memref<!tpu.dma_semaphore, #tpu.memory_space<semaphore_mem>>) src(%dma_wait3A_36 : memref<72x16xf32, #tpu.memory_space<hbm>>) dst(%arg11 : memref<72x16xf32, #tpu.memory_space<vmem>>)
      tpu.yield
    }) : () -> ()
    "tpu.region"() ({
      %run_scoped3A = tpu.sem_alloc : memref<!tpu.dma_semaphore, #tpu.memory_space<semaphore_mem>>
      %dma_start3A_30 = arith.constant 0 : i32
      %dma_start3A_31 = arith.constant 0 : i32
      %dma_start3A_32 = tpu.memref_slice %arg12[%dma_start3A_30, %dma_start3A_31] : memref<10000x16xf32, #tpu.memory_space<vmem_shared>> -> memref<10000x16xf32, #tpu.memory_space<vmem_shared>>
      tpu.enqueue_indirect_dma source(%arg11 : memref<72x16xf32, #tpu.memory_space<vmem>>) target(%dma_start3A_32 : memref<10000x16xf32, #tpu.memory_space<vmem_shared>>) offsets(%arg10 : memref<72xi32, #tpu.memory_space<vmem>>) semaphore(%run_scoped3A : memref<!tpu.dma_semaphore, #tpu.memory_space<semaphore_mem>>) {add = true}
      %dma_wait3A = arith.constant 0 : i32
      %dma_wait3A_33 = arith.constant 0 : i32
      %dma_wait3A_34 = tpu.memref_slice %arg12[%dma_wait3A, %dma_wait3A_33] : memref<10000x16xf32, #tpu.memory_space<vmem_shared>> -> memref<10000x16xf32, #tpu.memory_space<vmem_shared>>
      tpu.wait_indirect_dma semaphore(%run_scoped3A : memref<!tpu.dma_semaphore, #tpu.memory_space<semaphore_mem>>) src(%arg11 : memref<72x16xf32, #tpu.memory_space<vmem>>) dst(%dma_wait3A_34 : memref<10000x16xf32, #tpu.memory_space<vmem_shared>>)
      tpu.yield
    }) : () -> ()
    %barrier3A_27 = arith.constant 0 : index
    tpu.barrier barrier_id(%barrier3A_27)
    %eq3A = arith.constant 0 : i32
    %eq3A_28 = arith.cmpi eq, %arg1, %eq3A : i32
    %convert_element_type3A = arith.extui %eq3A_28 : i1 to i32
    %cond3A = arith.constant 0 : i32
    %cond3A_29 = arith.cmpi ne, %convert_element_type3A, %cond3A : i32
    scf.if %cond3A_29 {
      "tpu.region"() ({
        %run_scoped3A = tpu.sem_alloc : memref<!tpu.dma_semaphore, #tpu.memory_space<semaphore_mem>>
        %dma_start3A_30 = arith.constant 0 : i32
        %dma_start3A_31 = arith.constant 0 : i32
        %dma_start3A_32 = tpu.memref_slice %arg5[%arg0, %dma_start3A_30, %dma_start3A_31] : memref<2x10000x16xf32, #tpu.memory_space<hbm>> -> memref<1x10000x16xf32, #tpu.memory_space<hbm>>
        %dma_start3A_33 = tpu.memref_squeeze %dma_start3A_32 : memref<1x10000x16xf32, #tpu.memory_space<hbm>> -> memref<10000x16xf32, #tpu.memory_space<hbm>>
        tpu.enqueue_dma source(%arg12 : memref<10000x16xf32, #tpu.memory_space<vmem_shared>>) target(%dma_start3A_33 : memref<10000x16xf32, #tpu.memory_space<hbm>>) target_semaphore(%run_scoped3A : memref<!tpu.dma_semaphore, #tpu.memory_space<semaphore_mem>>)
        %dma_wait3A = arith.constant 0 : i32
        %dma_wait3A_34 = arith.constant 0 : i32
        %dma_wait3A_35 = tpu.memref_slice %arg5[%arg0, %dma_wait3A, %dma_wait3A_34] : memref<2x10000x16xf32, #tpu.memory_space<hbm>> -> memref<1x10000x16xf32, #tpu.memory_space<hbm>>
        %dma_wait3A_36 = tpu.memref_squeeze %dma_wait3A_35 : memref<1x10000x16xf32, #tpu.memory_space<hbm>> -> memref<10000x16xf32, #tpu.memory_space<hbm>>
        tpu.wait_dma2 semaphore(%run_scoped3A : memref<!tpu.dma_semaphore, #tpu.memory_space<semaphore_mem>>) src(%arg12 : memref<10000x16xf32, #tpu.memory_space<vmem_shared>>) dst(%dma_wait3A_36 : memref<10000x16xf32, #tpu.memory_space<hbm>>)
        tpu.yield
      }) : () -> ()
    } else {
    }
    return
  }
}

module attributes {stable_mosaic.version = 14 : i64} {
  func.func @_edge1_body(%arg0: i32, %arg1: memref<4000x1xf32, #tpu.memory_space<vmem>>, %arg2: memref<4000x128xf32, #tpu.memory_space<vmem>>, %arg3: memref<1x512xf32, #tpu.memory_space<vmem>>, %arg4: memref<1x512xf32, #tpu.memory_space<vmem>>, %arg5: memref<128x512xf32, #tpu.memory_space<vmem>>, %arg6: memref<128x16xf32, #tpu.memory_space<vmem>>, %arg7: memref<512x16xf32, #tpu.memory_space<vmem>>, %arg8: memref<4000x16xf32, #tpu.memory_space<vmem>>) attributes {dimension_semantics = [#tpu.dimension_semantics<arbitrary>], iteration_bounds = array<i64: 40>, scalar_prefetch = 0 : i64, scratch_operands = 0 : i64, tpu.core_type = #tpu.core_type<tc>, window_params = [{transform_indices = @transform_0, window_bounds = array<i64: 4000, 1>}, {transform_indices = @transform_1, window_bounds = array<i64: 4000, 128>}, {pipeline_mode = #tpu.pipeline_mode<synchronous>, transform_indices = @transform_2, window_bounds = array<i64: 1, 512>}, {pipeline_mode = #tpu.pipeline_mode<synchronous>, transform_indices = @transform_3, window_bounds = array<i64: 1, 512>}, {pipeline_mode = #tpu.pipeline_mode<synchronous>, transform_indices = @transform_4, window_bounds = array<i64: 128, 512>}, {pipeline_mode = #tpu.pipeline_mode<synchronous>, transform_indices = @transform_5, window_bounds = array<i64: 128, 16>}, {pipeline_mode = #tpu.pipeline_mode<synchronous>, transform_indices = @transform_6, window_bounds = array<i64: 512, 16>}, {transform_indices = @transform_7, window_bounds = array<i64: 4000, 16>}]} {
    %get3A = arith.constant 0 : index
    %get3A_0 = arith.constant 0 : index
    %get3A_1 = vector.load %arg1[%get3A, %get3A_0] : memref<4000x1xf32, #tpu.memory_space<vmem>>, vector<4000x1xf32>
    %get3A_2 = arith.constant 0 : index
    %get3A_3 = arith.constant 0 : index
    %get3A_4 = vector.load %arg3[%get3A_2, %get3A_3] : memref<1x512xf32, #tpu.memory_space<vmem>>, vector<1x512xf32>
    %mul3A = vector.broadcast %get3A_1 : vector<4000x1xf32> to vector<4000x512xf32>
    %mul3A_5 = vector.broadcast %get3A_4 : vector<1x512xf32> to vector<4000x512xf32>
    %mul3A_6 = arith.mulf %mul3A, %mul3A_5 : vector<4000x512xf32>
    %get3A_7 = arith.constant 0 : index
    %get3A_8 = arith.constant 0 : index
    %get3A_9 = vector.load %arg4[%get3A_7, %get3A_8] : memref<1x512xf32, #tpu.memory_space<vmem>>, vector<1x512xf32>
    %add3A = vector.broadcast %get3A_9 : vector<1x512xf32> to vector<4000x512xf32>
    %add3A_10 = arith.addf %mul3A_6, %add3A : vector<4000x512xf32>
    %max3A = arith.constant 0.000000e+00 : f32
    %max3A_11 = vector.broadcast %max3A : f32 to vector<4000x512xf32>
    %max3A_12 = arith.maximumf %add3A_10, %max3A_11 : vector<4000x512xf32>
    %get3A_13 = arith.constant 0 : index
    %get3A_14 = arith.constant 0 : index
    %get3A_15 = vector.load %arg2[%get3A_13, %get3A_14] : memref<4000x128xf32, #tpu.memory_space<vmem>>, vector<4000x128xf32>
    %get3A_16 = arith.constant 0 : index
    %get3A_17 = arith.constant 0 : index
    %get3A_18 = vector.load %arg5[%get3A_16, %get3A_17] : memref<128x512xf32, #tpu.memory_space<vmem>>, vector<128x512xf32>
    %dot_general3A = arith.constant dense<0.000000e+00> : vector<4000x512xf32>
    %dot_general3A_19 = tpu.matmul %get3A_15, %get3A_18, %dot_general3A {dimension_numbers = #tpu.dot_dimension_numbers<[1], [0], [0], [1], [0, 0, 1, 1], [], []>, transpose_lhs_hint = false} : vector<4000x128xf32>, vector<128x512xf32>, vector<4000x512xf32> -> vector<4000x512xf32>
    %mul3A_20 = arith.mulf %max3A_12, %dot_general3A_19 : vector<4000x512xf32>
    %get3A_21 = arith.constant 0 : index
    %get3A_22 = arith.constant 0 : index
    %get3A_23 = vector.load %arg7[%get3A_21, %get3A_22] : memref<512x16xf32, #tpu.memory_space<vmem>>, vector<512x16xf32>
    %dot_general3A_24 = arith.constant dense<0.000000e+00> : vector<4000x16xf32>
    %dot_general3A_25 = tpu.matmul %mul3A_20, %get3A_23, %dot_general3A_24 {dimension_numbers = #tpu.dot_dimension_numbers<[1], [0], [0], [1], [0, 0, 1, 1], [], []>, transpose_lhs_hint = false} : vector<4000x512xf32>, vector<512x16xf32>, vector<4000x16xf32> -> vector<4000x16xf32>
    %get3A_26 = arith.constant 0 : index
    %get3A_27 = arith.constant 0 : index
    %get3A_28 = vector.load %arg6[%get3A_26, %get3A_27] : memref<128x16xf32, #tpu.memory_space<vmem>>, vector<128x16xf32>
    %dot_general3A_29 = arith.constant dense<0.000000e+00> : vector<4000x16xf32>
    %dot_general3A_30 = tpu.matmul %get3A_15, %get3A_28, %dot_general3A_29 {dimension_numbers = #tpu.dot_dimension_numbers<[1], [0], [0], [1], [0, 0, 1, 1], [], []>, transpose_lhs_hint = false} : vector<4000x128xf32>, vector<128x16xf32>, vector<4000x16xf32> -> vector<4000x16xf32>
    %add3A_31 = arith.addf %dot_general3A_25, %dot_general3A_30 : vector<4000x16xf32>
    %iota3A = tpu.iota {dimensions = array<i32: 1>} : vector<4000x16xi32>
    %eq3A = arith.constant 8 : i32
    %eq3A_32 = vector.broadcast %eq3A : i32 to vector<4000x16xi32>
    %eq3A_33 = arith.cmpi eq, %iota3A, %eq3A_32 : vector<4000x16xi32>
    %convert_element_type3A = arith.extui %eq3A_33 : vector<4000x16xi1> to vector<4000x16xi32>
    %convert_element_type3A_34 = arith.sitofp %convert_element_type3A : vector<4000x16xi32> to vector<4000x16xf32>
    %add3A_35 = arith.addf %add3A_31, %convert_element_type3A_34 : vector<4000x16xf32>
    %swap3A = arith.constant 0 : index
    %swap3A_36 = arith.constant 0 : index
    %swap3A_37 = vector.load %arg8[%swap3A, %swap3A_36] : memref<4000x16xf32, #tpu.memory_space<vmem>>, vector<4000x16xf32>
    tpu.vector_store %arg8[%swap3A, %swap3A_36], %add3A_35 {strides = array<i32>} : memref<4000x16xf32, #tpu.memory_space<vmem>>, vector<4000x16xf32>,
    return
  }
  func.func @transform_0(%arg0: i32) -> (i32, i32) {
    %c0_i32 = arith.constant 0 : i32
    %c0_i32_0 = arith.constant 0 : i32
    return %arg0, %c0_i32 : i32, i32
  }
  func.func @transform_1(%arg0: i32) -> (i32, i32) {
    %c0_i32 = arith.constant 0 : i32
    %c0_i32_0 = arith.constant 0 : i32
    return %arg0, %c0_i32 : i32, i32
  }
  func.func @transform_2(%arg0: i32) -> (i32, i32) {
    %c0_i32 = arith.constant 0 : i32
    %c0_i32_0 = arith.constant 0 : i32
    %c0_i32_1 = arith.constant 0 : i32
    return %c0_i32, %c0_i32_0 : i32, i32
  }
  func.func @transform_3(%arg0: i32) -> (i32, i32) {
    %c0_i32 = arith.constant 0 : i32
    %c0_i32_0 = arith.constant 0 : i32
    %c0_i32_1 = arith.constant 0 : i32
    return %c0_i32, %c0_i32_0 : i32, i32
  }
  func.func @transform_4(%arg0: i32) -> (i32, i32) {
    %c0_i32 = arith.constant 0 : i32
    %c0_i32_0 = arith.constant 0 : i32
    %c0_i32_1 = arith.constant 0 : i32
    return %c0_i32, %c0_i32_0 : i32, i32
  }
  func.func @transform_5(%arg0: i32) -> (i32, i32) {
    %c0_i32 = arith.constant 0 : i32
    %c0_i32_0 = arith.constant 0 : i32
    %c0_i32_1 = arith.constant 0 : i32
    return %c0_i32, %c0_i32_0 : i32, i32
  }
  func.func @transform_6(%arg0: i32) -> (i32, i32) {
    %c0_i32 = arith.constant 0 : i32
    %c0_i32_0 = arith.constant 0 : i32
    %c0_i32_1 = arith.constant 0 : i32
    return %c0_i32, %c0_i32_0 : i32, i32
  }
  func.func @transform_7(%arg0: i32) -> (i32, i32) {
    %c0_i32 = arith.constant 0 : i32
    %c0_i32_0 = arith.constant 0 : i32
    return %arg0, %c0_i32 : i32, i32
  }
}

module attributes {stable_mosaic.version = 14 : i64} {
  func.func @_combine1_body(%arg0: memref<2x10000x16xf32, #tpu.memory_space<vmem>>, %arg1: memref<10000x128xf32, #tpu.memory_space<vmem>>, %arg2: memref<128x8xf32, #tpu.memory_space<vmem>>, %arg3: memref<1x8xf32, #tpu.memory_space<vmem>>, %arg4: memref<10000x16xf32, #tpu.memory_space<vmem>>, %arg5: memref<10000x1xf32, #tpu.memory_space<vmem>>) attributes {dimension_semantics = [], scalar_prefetch = 0 : i64, scratch_operands = 0 : i64, tpu.core_type = #tpu.core_type<tc>} {
    %get3A = arith.constant 0 : index
    %get3A_0 = arith.constant 0 : index
    %get3A_1 = arith.constant 0 : index
    %get3A_2 = vector.load %arg0[%get3A, %get3A_0, %get3A_1] : memref<2x10000x16xf32, #tpu.memory_space<vmem>>, vector<1x10000x16xf32>
    %get3A_3 = vector.shape_cast %get3A_2 : vector<1x10000x16xf32> to vector<10000x16xf32>
    %get3A_4 = arith.constant 1 : index
    %get3A_5 = arith.constant 0 : index
    %get3A_6 = arith.constant 0 : index
    %get3A_7 = vector.load %arg0[%get3A_4, %get3A_5, %get3A_6] : memref<2x10000x16xf32, #tpu.memory_space<vmem>>, vector<1x10000x16xf32>
    %get3A_8 = vector.shape_cast %get3A_7 : vector<1x10000x16xf32> to vector<10000x16xf32>
    %add3A = arith.addf %get3A_3, %get3A_8 : vector<10000x16xf32>
    %slice3A = vector.extract_strided_slice %add3A {offsets = [0, 8], sizes = [10000, 1], strides = [1, 1]} : vector<10000x16xf32> to vector<10000x1xf32>
    %max3A = arith.constant 1.000000e+00 : f32
    %max3A_9 = vector.broadcast %max3A : f32 to vector<10000x1xf32>
    %max3A_10 = arith.maximumf %slice3A, %max3A_9 : vector<10000x1xf32>
    %slice3A_11 = vector.extract_strided_slice %add3A {offsets = [0, 0], sizes = [10000, 8], strides = [1, 1]} : vector<10000x16xf32> to vector<10000x8xf32>
    %div3A = vector.broadcast %max3A_10 : vector<10000x1xf32> to vector<10000x8xf32>
    %div3A_12 = arith.divf %slice3A_11, %div3A : vector<10000x8xf32>
    %get3A_13 = arith.constant 0 : index
    %get3A_14 = arith.constant 0 : index
    %get3A_15 = vector.load %arg1[%get3A_13, %get3A_14] : memref<10000x128xf32, #tpu.memory_space<vmem>>, vector<10000x128xf32>
    %get3A_16 = arith.constant 0 : index
    %get3A_17 = arith.constant 0 : index
    %get3A_18 = vector.load %arg2[%get3A_16, %get3A_17] : memref<128x8xf32, #tpu.memory_space<vmem>>, vector<128x8xf32>
    %dot_general3A = arith.constant dense<0.000000e+00> : vector<10000x8xf32>
    %dot_general3A_19 = tpu.matmul %get3A_15, %get3A_18, %dot_general3A {dimension_numbers = #tpu.dot_dimension_numbers<[1], [0], [0], [1], [0, 0, 1, 1], [], []>, transpose_lhs_hint = false} : vector<10000x128xf32>, vector<128x8xf32>, vector<10000x8xf32> -> vector<10000x8xf32>
    %add3A_20 = arith.addf %div3A_12, %dot_general3A_19 : vector<10000x8xf32>
    %get3A_21 = arith.constant 0 : index
    %get3A_22 = arith.constant 0 : index
    %get3A_23 = vector.load %arg3[%get3A_21, %get3A_22] : memref<1x8xf32, #tpu.memory_space<vmem>>, vector<1x8xf32>
    %add3A_24 = vector.broadcast %get3A_23 : vector<1x8xf32> to vector<10000x8xf32>
    %add3A_25 = arith.addf %add3A_20, %add3A_24 : vector<10000x8xf32>
    %max3A_26 = arith.constant 0.000000e+00 : f32
    %max3A_27 = vector.broadcast %max3A_26 : f32 to vector<10000x8xf32>
    %max3A_28 = arith.maximumf %add3A_25, %max3A_27 : vector<10000x8xf32>
    %broadcast_in_dim3A = arith.constant 0.000000e+00 : f32
    %broadcast_in_dim3A_29 = vector.broadcast %broadcast_in_dim3A : f32 to vector<10000x8xf32>
    %concatenate3A = tpu.concatenate %max3A_28, %broadcast_in_dim3A_29 in 1 : vector<10000x8xf32>, vector<10000x8xf32> -> vector<10000x16xf32>
    %swap3A = arith.constant 0 : index
    %swap3A_30 = arith.constant 0 : index
    %swap3A_31 = vector.load %arg4[%swap3A, %swap3A_30] : memref<10000x16xf32, #tpu.memory_space<vmem>>, vector<10000x16xf32>
    tpu.vector_store %arg4[%swap3A, %swap3A_30], %concatenate3A {strides = array<i32>} : memref<10000x16xf32, #tpu.memory_space<vmem>>, vector<10000x16xf32>,
    %swap3A_32 = arith.constant 0 : index
    %swap3A_33 = arith.constant 0 : index
    %swap3A_34 = vector.load %arg5[%swap3A_32, %swap3A_33] : memref<10000x1xf32, #tpu.memory_space<vmem>>, vector<10000x1xf32>
    tpu.vector_store %arg5[%swap3A_32, %swap3A_33], %max3A_10 {strides = array<i32>} : memref<10000x1xf32, #tpu.memory_space<vmem>>, vector<10000x1xf32>,
    return
  }
}

module attributes {stable_mosaic.version = 14 : i64} {
  func.func @_edge2_body(%arg0: i32, %arg1: memref<8000x1xf32, #tpu.memory_space<vmem>>, %arg2: memref<8000x16xf32, #tpu.memory_space<vmem>>, %arg3: memref<1x64xf32, #tpu.memory_space<vmem>>, %arg4: memref<1x64xf32, #tpu.memory_space<vmem>>, %arg5: memref<64x64xf32, #tpu.memory_space<vmem>>, %arg6: memref<1x64xf32, #tpu.memory_space<vmem>>, %arg7: memref<16x64xf32, #tpu.memory_space<vmem>>, %arg8: memref<64x16xf32, #tpu.memory_space<vmem>>, %arg9: memref<8000x16xf32, #tpu.memory_space<vmem>>) attributes {dimension_semantics = [#tpu.dimension_semantics<arbitrary>], iteration_bounds = array<i64: 20>, scalar_prefetch = 0 : i64, scratch_operands = 0 : i64, tpu.core_type = #tpu.core_type<tc>, window_params = [{transform_indices = @transform_0, window_bounds = array<i64: 8000, 1>}, {transform_indices = @transform_1, window_bounds = array<i64: 8000, 16>}, {pipeline_mode = #tpu.pipeline_mode<synchronous>, transform_indices = @transform_2, window_bounds = array<i64: 1, 64>}, {pipeline_mode = #tpu.pipeline_mode<synchronous>, transform_indices = @transform_3, window_bounds = array<i64: 1, 64>}, {pipeline_mode = #tpu.pipeline_mode<synchronous>, transform_indices = @transform_4, window_bounds = array<i64: 64, 64>}, {pipeline_mode = #tpu.pipeline_mode<synchronous>, transform_indices = @transform_5, window_bounds = array<i64: 1, 64>}, {pipeline_mode = #tpu.pipeline_mode<synchronous>, transform_indices = @transform_6, window_bounds = array<i64: 16, 64>}, {pipeline_mode = #tpu.pipeline_mode<synchronous>, transform_indices = @transform_7, window_bounds = array<i64: 64, 16>}, {transform_indices = @transform_8, window_bounds = array<i64: 8000, 16>}]} {
    %get3A = arith.constant 0 : index
    %get3A_0 = arith.constant 0 : index
    %get3A_1 = vector.load %arg1[%get3A, %get3A_0] : memref<8000x1xf32, #tpu.memory_space<vmem>>, vector<8000x1xf32>
    %get3A_2 = arith.constant 0 : index
    %get3A_3 = arith.constant 0 : index
    %get3A_4 = vector.load %arg3[%get3A_2, %get3A_3] : memref<1x64xf32, #tpu.memory_space<vmem>>, vector<1x64xf32>
    %mul3A = vector.broadcast %get3A_1 : vector<8000x1xf32> to vector<8000x64xf32>
    %mul3A_5 = vector.broadcast %get3A_4 : vector<1x64xf32> to vector<8000x64xf32>
    %mul3A_6 = arith.mulf %mul3A, %mul3A_5 : vector<8000x64xf32>
    %get3A_7 = arith.constant 0 : index
    %get3A_8 = arith.constant 0 : index
    %get3A_9 = vector.load %arg4[%get3A_7, %get3A_8] : memref<1x64xf32, #tpu.memory_space<vmem>>, vector<1x64xf32>
    %add3A = vector.broadcast %get3A_9 : vector<1x64xf32> to vector<8000x64xf32>
    %add3A_10 = arith.addf %mul3A_6, %add3A : vector<8000x64xf32>
    %max3A = arith.constant 0.000000e+00 : f32
    %max3A_11 = vector.broadcast %max3A : f32 to vector<8000x64xf32>
    %max3A_12 = arith.maximumf %add3A_10, %max3A_11 : vector<8000x64xf32>
    %get3A_13 = arith.constant 0 : index
    %get3A_14 = arith.constant 0 : index
    %get3A_15 = vector.load %arg5[%get3A_13, %get3A_14] : memref<64x64xf32, #tpu.memory_space<vmem>>, vector<64x64xf32>
    %dot_general3A = arith.constant dense<0.000000e+00> : vector<8000x64xf32>
    %dot_general3A_16 = tpu.matmul %max3A_12, %get3A_15, %dot_general3A {dimension_numbers = #tpu.dot_dimension_numbers<[1], [0], [0], [1], [0, 0, 1, 1], [], []>, transpose_lhs_hint = false} : vector<8000x64xf32>, vector<64x64xf32>, vector<8000x64xf32> -> vector<8000x64xf32>
    %get3A_17 = arith.constant 0 : index
    %get3A_18 = arith.constant 0 : index
    %get3A_19 = vector.load %arg6[%get3A_17, %get3A_18] : memref<1x64xf32, #tpu.memory_space<vmem>>, vector<1x64xf32>
    %add3A_20 = vector.broadcast %get3A_19 : vector<1x64xf32> to vector<8000x64xf32>
    %add3A_21 = arith.addf %dot_general3A_16, %add3A_20 : vector<8000x64xf32>
    %get3A_22 = arith.constant 0 : index
    %get3A_23 = arith.constant 0 : index
    %get3A_24 = vector.load %arg2[%get3A_22, %get3A_23] : memref<8000x16xf32, #tpu.memory_space<vmem>>, vector<8000x16xf32>
    %get3A_25 = arith.constant 0 : index
    %get3A_26 = arith.constant 0 : index
    %get3A_27 = vector.load %arg7[%get3A_25, %get3A_26] : memref<16x64xf32, #tpu.memory_space<vmem>>, vector<16x64xf32>
    %dot_general3A_28 = arith.constant dense<0.000000e+00> : vector<8000x64xf32>
    %dot_general3A_29 = tpu.matmul %get3A_24, %get3A_27, %dot_general3A_28 {dimension_numbers = #tpu.dot_dimension_numbers<[1], [0], [0], [1], [0, 0, 1, 1], [], []>, transpose_lhs_hint = false} : vector<8000x16xf32>, vector<16x64xf32>, vector<8000x64xf32> -> vector<8000x64xf32>
    %mul3A_30 = arith.mulf %add3A_21, %dot_general3A_29 : vector<8000x64xf32>
    %get3A_31 = arith.constant 0 : index
    %get3A_32 = arith.constant 0 : index
    %get3A_33 = vector.load %arg8[%get3A_31, %get3A_32] : memref<64x16xf32, #tpu.memory_space<vmem>>, vector<64x16xf32>
    %dot_general3A_34 = arith.constant dense<0.000000e+00> : vector<8000x16xf32>
    %dot_general3A_35 = tpu.matmul %mul3A_30, %get3A_33, %dot_general3A_34 {dimension_numbers = #tpu.dot_dimension_numbers<[1], [0], [0], [1], [0, 0, 1, 1], [], []>, transpose_lhs_hint = false} : vector<8000x64xf32>, vector<64x16xf32>, vector<8000x16xf32> -> vector<8000x16xf32>
    %swap3A = arith.constant 0 : index
    %swap3A_36 = arith.constant 0 : index
    %swap3A_37 = vector.load %arg9[%swap3A, %swap3A_36] : memref<8000x16xf32, #tpu.memory_space<vmem>>, vector<8000x16xf32>
    tpu.vector_store %arg9[%swap3A, %swap3A_36], %dot_general3A_35 {strides = array<i32>} : memref<8000x16xf32, #tpu.memory_space<vmem>>, vector<8000x16xf32>,
    return
  }
  func.func @transform_0(%arg0: i32) -> (i32, i32) {
    %c0_i32 = arith.constant 0 : i32
    %c0_i32_0 = arith.constant 0 : i32
    return %arg0, %c0_i32 : i32, i32
  }
  func.func @transform_1(%arg0: i32) -> (i32, i32) {
    %c0_i32 = arith.constant 0 : i32
    %c0_i32_0 = arith.constant 0 : i32
    return %arg0, %c0_i32 : i32, i32
  }
  func.func @transform_2(%arg0: i32) -> (i32, i32) {
    %c0_i32 = arith.constant 0 : i32
    %c0_i32_0 = arith.constant 0 : i32
    %c0_i32_1 = arith.constant 0 : i32
    return %c0_i32, %c0_i32_0 : i32, i32
  }
  func.func @transform_3(%arg0: i32) -> (i32, i32) {
    %c0_i32 = arith.constant 0 : i32
    %c0_i32_0 = arith.constant 0 : i32
    %c0_i32_1 = arith.constant 0 : i32
    return %c0_i32, %c0_i32_0 : i32, i32
  }
  func.func @transform_4(%arg0: i32) -> (i32, i32) {
    %c0_i32 = arith.constant 0 : i32
    %c0_i32_0 = arith.constant 0 : i32
    %c0_i32_1 = arith.constant 0 : i32
    return %c0_i32, %c0_i32_0 : i32, i32
  }
  func.func @transform_5(%arg0: i32) -> (i32, i32) {
    %c0_i32 = arith.constant 0 : i32
    %c0_i32_0 = arith.constant 0 : i32
    %c0_i32_1 = arith.constant 0 : i32
    return %c0_i32, %c0_i32_0 : i32, i32
  }
  func.func @transform_6(%arg0: i32) -> (i32, i32) {
    %c0_i32 = arith.constant 0 : i32
    %c0_i32_0 = arith.constant 0 : i32
    %c0_i32_1 = arith.constant 0 : i32
    return %c0_i32, %c0_i32_0 : i32, i32
  }
  func.func @transform_7(%arg0: i32) -> (i32, i32) {
    %c0_i32 = arith.constant 0 : i32
    %c0_i32_0 = arith.constant 0 : i32
    %c0_i32_1 = arith.constant 0 : i32
    return %c0_i32, %c0_i32_0 : i32, i32
  }
  func.func @transform_8(%arg0: i32) -> (i32, i32) {
    %c0_i32 = arith.constant 0 : i32
    %c0_i32_0 = arith.constant 0 : i32
    return %arg0, %c0_i32 : i32, i32
  }
}

module attributes {stable_mosaic.version = 14 : i64} {
  func.func @_final_body(%arg0: memref<2x10000x16xf32, #tpu.memory_space<vmem>>, %arg1: memref<10000x16xf32, #tpu.memory_space<vmem>>, %arg2: memref<10000x1xf32, #tpu.memory_space<vmem>>, %arg3: memref<1x10000xi32, #tpu.memory_space<vmem>>, %arg4: memref<8x8xf32, #tpu.memory_space<vmem>>, %arg5: memref<1x8xf32, #tpu.memory_space<vmem>>, %arg6: memref<8x128xf32, #tpu.memory_space<vmem>>, %arg7: memref<1x128xf32, #tpu.memory_space<vmem>>, %arg8: memref<128x4xf32, #tpu.memory_space<vmem>>, %arg9: memref<1x4xf32, #tpu.memory_space<vmem>>, %arg10: memref<16x4xf32, #tpu.memory_space<vmem>>) attributes {dimension_semantics = [], scalar_prefetch = 0 : i64, scratch_operands = 0 : i64, tpu.core_type = #tpu.core_type<tc>} {
    %get3A = arith.constant 0 : index
    %get3A_0 = arith.constant 0 : index
    %get3A_1 = arith.constant 0 : index
    %get3A_2 = vector.load %arg0[%get3A, %get3A_0, %get3A_1] : memref<2x10000x16xf32, #tpu.memory_space<vmem>>, vector<1x10000x16xf32>
    %get3A_3 = vector.shape_cast %get3A_2 : vector<1x10000x16xf32> to vector<10000x16xf32>
    %slice3A = vector.extract_strided_slice %get3A_3 {offsets = [0, 0], sizes = [10000, 8], strides = [1, 1]} : vector<10000x16xf32> to vector<10000x8xf32>
    %get3A_4 = arith.constant 1 : index
    %get3A_5 = arith.constant 0 : index
    %get3A_6 = arith.constant 0 : index
    %get3A_7 = vector.load %arg0[%get3A_4, %get3A_5, %get3A_6] : memref<2x10000x16xf32, #tpu.memory_space<vmem>>, vector<1x10000x16xf32>
    %get3A_8 = vector.shape_cast %get3A_7 : vector<1x10000x16xf32> to vector<10000x16xf32>
    %slice3A_9 = vector.extract_strided_slice %get3A_8 {offsets = [0, 0], sizes = [10000, 8], strides = [1, 1]} : vector<10000x16xf32> to vector<10000x8xf32>
    %add3A = arith.addf %slice3A, %slice3A_9 : vector<10000x8xf32>
    %get3A_10 = arith.constant 0 : index
    %get3A_11 = arith.constant 0 : index
    %get3A_12 = vector.load %arg2[%get3A_10, %get3A_11] : memref<10000x1xf32, #tpu.memory_space<vmem>>, vector<10000x1xf32>
    %div3A = vector.broadcast %get3A_12 : vector<10000x1xf32> to vector<10000x8xf32>
    %div3A_13 = arith.divf %add3A, %div3A : vector<10000x8xf32>
    %get3A_14 = arith.constant 0 : index
    %get3A_15 = arith.constant 0 : index
    %get3A_16 = vector.load %arg1[%get3A_14, %get3A_15] : memref<10000x16xf32, #tpu.memory_space<vmem>>, vector<10000x8xf32>
    %get3A_17 = arith.constant 0 : index
    %get3A_18 = arith.constant 0 : index
    %get3A_19 = vector.load %arg4[%get3A_17, %get3A_18] : memref<8x8xf32, #tpu.memory_space<vmem>>, vector<8x8xf32>
    %dot_general3A = arith.constant dense<0.000000e+00> : vector<10000x8xf32>
    %dot_general3A_20 = tpu.matmul %get3A_16, %get3A_19, %dot_general3A {dimension_numbers = #tpu.dot_dimension_numbers<[1], [0], [0], [1], [0, 0, 1, 1], [], []>, transpose_lhs_hint = false} : vector<10000x8xf32>, vector<8x8xf32>, vector<10000x8xf32> -> vector<10000x8xf32>
    %add3A_21 = arith.addf %div3A_13, %dot_general3A_20 : vector<10000x8xf32>
    %get3A_22 = arith.constant 0 : index
    %get3A_23 = arith.constant 0 : index
    %get3A_24 = vector.load %arg5[%get3A_22, %get3A_23] : memref<1x8xf32, #tpu.memory_space<vmem>>, vector<1x8xf32>
    %add3A_25 = vector.broadcast %get3A_24 : vector<1x8xf32> to vector<10000x8xf32>
    %add3A_26 = arith.addf %add3A_21, %add3A_25 : vector<10000x8xf32>
    %max3A = arith.constant 0.000000e+00 : f32
    %max3A_27 = vector.broadcast %max3A : f32 to vector<10000x8xf32>
    %max3A_28 = arith.maximumf %add3A_26, %max3A_27 : vector<10000x8xf32>
    %iota3A = tpu.iota {dimensions = array<i32: 0>} : vector<16x10000xi32>
    %get3A_29 = arith.constant 0 : index
    %get3A_30 = arith.constant 0 : index
    %get3A_31 = vector.load %arg3[%get3A_29, %get3A_30] : memref<1x10000xi32, #tpu.memory_space<vmem>>, vector<1x10000xi32>
    %eq3A = vector.broadcast %get3A_31 : vector<1x10000xi32> to vector<16x10000xi32>
    %eq3A_32 = arith.cmpi eq, %eq3A, %iota3A : vector<16x10000xi32>
    %convert_element_type3A = arith.extui %eq3A_32 : vector<16x10000xi1> to vector<16x10000xi32>
    %convert_element_type3A_33 = arith.sitofp %convert_element_type3A : vector<16x10000xi32> to vector<16x10000xf32>
    %broadcast_in_dim3A = arith.constant 1.000000e+00 : f32
    %broadcast_in_dim3A_34 = vector.broadcast %broadcast_in_dim3A : f32 to vector<10000x1xf32>
    %broadcast_in_dim3A_35 = arith.constant 0.000000e+00 : f32
    %broadcast_in_dim3A_36 = vector.broadcast %broadcast_in_dim3A_35 : f32 to vector<10000x7xf32>
    %concatenate3A = tpu.concatenate %max3A_28, %broadcast_in_dim3A_34, %broadcast_in_dim3A_36 in 1 : vector<10000x8xf32>, vector<10000x1xf32>, vector<10000x7xf32> -> vector<10000x16xf32>
    %dot_general3A_37 = arith.constant dense<0.000000e+00> : vector<16x16xf32>
    %dot_general3A_38 = tpu.matmul %convert_element_type3A_33, %concatenate3A, %dot_general3A_37 {dimension_numbers = #tpu.dot_dimension_numbers<[1], [0], [0], [1], [0, 0, 1, 1], [], []>, transpose_lhs_hint = false} : vector<16x10000xf32>, vector<10000x16xf32>, vector<16x16xf32> -> vector<16x16xf32>
    %slice3A_39 = vector.extract_strided_slice %dot_general3A_38 {offsets = [0, 8], sizes = [16, 1], strides = [1, 1]} : vector<16x16xf32> to vector<16x1xf32>
    %max3A_40 = arith.constant 1.000000e+00 : f32
    %max3A_41 = vector.broadcast %max3A_40 : f32 to vector<16x1xf32>
    %max3A_42 = arith.maximumf %slice3A_39, %max3A_41 : vector<16x1xf32>
    %slice3A_43 = vector.extract_strided_slice %dot_general3A_38 {offsets = [0, 0], sizes = [16, 8], strides = [1, 1]} : vector<16x16xf32> to vector<16x8xf32>
    %div3A_44 = vector.broadcast %max3A_42 : vector<16x1xf32> to vector<16x8xf32>
    %div3A_45 = arith.divf %slice3A_43, %div3A_44 : vector<16x8xf32>
    %get3A_46 = arith.constant 0 : index
    %get3A_47 = arith.constant 0 : index
    %get3A_48 = vector.load %arg6[%get3A_46, %get3A_47] : memref<8x128xf32, #tpu.memory_space<vmem>>, vector<8x128xf32>
    %dot_general3A_49 = arith.constant dense<0.000000e+00> : vector<16x128xf32>
    %dot_general3A_50 = tpu.matmul %div3A_45, %get3A_48, %dot_general3A_49 {dimension_numbers = #tpu.dot_dimension_numbers<[1], [0], [0], [1], [0, 0, 1, 1], [], []>, transpose_lhs_hint = false} : vector<16x8xf32>, vector<8x128xf32>, vector<16x128xf32> -> vector<16x128xf32>
    %get3A_51 = arith.constant 0 : index
    %get3A_52 = arith.constant 0 : index
    %get3A_53 = vector.load %arg7[%get3A_51, %get3A_52] : memref<1x128xf32, #tpu.memory_space<vmem>>, vector<1x128xf32>
    %add3A_54 = vector.broadcast %get3A_53 : vector<1x128xf32> to vector<16x128xf32>
    %add3A_55 = arith.addf %dot_general3A_50, %add3A_54 : vector<16x128xf32>
    %max3A_56 = arith.constant 0.000000e+00 : f32
    %max3A_57 = vector.broadcast %max3A_56 : f32 to vector<16x128xf32>
    %max3A_58 = arith.maximumf %add3A_55, %max3A_57 : vector<16x128xf32>
    %get3A_59 = arith.constant 0 : index
    %get3A_60 = arith.constant 0 : index
    %get3A_61 = vector.load %arg8[%get3A_59, %get3A_60] : memref<128x4xf32, #tpu.memory_space<vmem>>, vector<128x4xf32>
    %dot_general3A_62 = arith.constant dense<0.000000e+00> : vector<16x4xf32>
    %dot_general3A_63 = tpu.matmul %max3A_58, %get3A_61, %dot_general3A_62 {dimension_numbers = #tpu.dot_dimension_numbers<[1], [0], [0], [1], [0, 0, 1, 1], [], []>, transpose_lhs_hint = false} : vector<16x128xf32>, vector<128x4xf32>, vector<16x4xf32> -> vector<16x4xf32>
    %get3A_64 = arith.constant 0 : index
    %get3A_65 = arith.constant 0 : index
    %get3A_66 = vector.load %arg9[%get3A_64, %get3A_65] : memref<1x4xf32, #tpu.memory_space<vmem>>, vector<1x4xf32>
    %add3A_67 = vector.broadcast %get3A_66 : vector<1x4xf32> to vector<16x4xf32>
    %add3A_68 = arith.addf %dot_general3A_63, %add3A_67 : vector<16x4xf32>
    %swap3A = arith.constant 0 : index
    %swap3A_69 = arith.constant 0 : index
    %swap3A_70 = vector.load %arg10[%swap3A, %swap3A_69] : memref<16x4xf32, #tpu.memory_space<vmem>>, vector<16x4xf32>
    tpu.vector_store %arg10[%swap3A, %swap3A_69], %add3A_68 {strides = array<i32>} : memref<16x4xf32, #tpu.memory_space<vmem>>, vector<16x4xf32>,
    return
  }
}

</mosaic_0001>

<sc_bundles>
// kernel: kernel.10.cloned.1.call-start
scs
__scs_entry_jumppad:
0x0: {  	(pc) =	sbr.rel $0x88, $3  }
0x1: {  	(tag) =	ssettag $0x0;
	lr =	simm.s32 $0x1  }
0x2: {  	[smem:$0x3F8D] =	sst lr;
	_ =	strace $0xD0000000  }
0x3: {  	_ = 	snop  }
0x4: {  	_ = 	snop  }
0x5: {  	_ = 	snop  }
0x6: {  	_ = 	snop  }
0x7: {  	_ = 	snop  }
__scs_overlays_trampoline_lowered:
0x8: {  	[smem:$0x3F9C] =	sst s0  }
0x9: {  	[smem:$0x3F9D] =	sst s1  }
0xa: {  	[smem:$0x3F9E] =	sst s2  }
0xb: {  	[smem:$0x3F9F] =	sst s3  }
0xc: {  	[smem:$0x3FA0] =	sst s4  }
0xd: {  	[smem:$0x3FA1] =	sst s5  }
0xe: {  	[smem:$0x3FA2] =	sst s6  }
0xf: {  	[smem:$0x3FA3] =	sst s7  }
0x10: {  	[smem:$0x3FA4] =	sst s8  }
0x11: {  	[smem:$0x3FA5] =	sst s9;
	s0 =	simm.s32 @!p0 $0x0  }
0x12: {  	s1 =	sld [smem:$0x3F8B];
	s0 =	simm.s32 @p0 $0x1  }
0x13: {  	[smem:$0x3FA6] =	sst s0;
	s0 =	simm.s32 @!p1 $0x0  }
0x14: {  	s2 =	sld [smem:$0x3F8A];
	s0 =	simm.s32 @p1 $0x1  }
0x15: {  	[smem:$0x3FA7] =	sst s0;
	s0 =	simm.s32 @!p2 $0x0  }
0x16: {  	s3 =	sld [smem:$0x3FDB];
	s0 =	simm.s32 @p2 $0x1  }
0x17: {  	s4 =	simm.s32 $0x1BF5;
	[smem:$0x3FA9] =	sst s0  }
0x18: {  	s0 =	sld [smem:$0x3F8C];
	_ =	swait.ge [sflag:s4], $0x0  }
0x19: {  	s7 =	sld [smem:$0x3F8D]  }
0x1a: {  	s8 =	sadd.s32 $0xFFFFE003, lr  }
0x1b: {  	s9 =	sadd.s32 $0xFFFFFEF7, lr;
	s5 =	simm.s32 $0xFFFFFFFF;
	p2 =	slt.u32 s8, $0xFFFFF086  }
0x1c: {  	p1 =	slt.u32 s9, $0xF7A;
	s5 =	simm.s32 @!p2 $0x0  }
0x1d: {  	s5 =	simm.s32 @p1 $0x1;
	p0 =	seq.s32 s7, s2  }
0x1e: {  	s7 =	smul.u32 @!p0 $0xF7A, s2;
	p2 =	seq.s32 @!p0 s5, $0x0  }
0x1f: {  	s9 =	smul.u32 $0xF7A, s1;
	s8 =	simm.s32 @!p0 $0x1BF5;
	p2 =	por !p2, p0  }
0x20: {  	[sflag:s8] =	ssyncset.s32 @!p0 $0xFFFFF086;
	s6 =	sadd.s32 @!p0 s3, s7;
	s7 =	simm.s32 @!p0 $0x108  }
0x21: {  	s3 =	sadd.s32 s3, s9;
	s6 =	sadd.s32 @!p0 $0x88, s6;
	s7 =	simm.s32 @p2 $0x1082  }
0x22: {  	[simem:s7], [sflag:s8] =	dma.local @!p0 [hbm:s6], $0xF7A  }
0x23: {  	s9 =	sor.u32 $0xD0000000, s2;
	s6 =	simm.s32 $0x108;
	_ =	swait.ge @!p0 [sflag:s8], $0x0  }
0x24: {  	s3 =	sadd.s32 $0x88, s3;
	s6 =	simm.s32 @!p1 $0x1082;
	[sflag:s4] =	ssyncset.s32 $0xFFFFF086  }
0x25: {  	[simem:s6], [sflag:s4] =	dma.local [hbm:s3], $0xF7A  }
0x26: {  	[smem:$0x3F8D] =	sst s1;
	(tag) =	ssettag s2;
	_ =	strace s9  }
0x27: {  	s1 =	sld [smem:$0x3F9D]  }
0x28: {  	s2 =	sld [smem:$0x3F9E]  }
0x29: {  	s4 =	sld [smem:$0x3FA0]  }
0x2a: {  	p0 =	seq.s32 s5, $0x0;
	s5 =	sld [smem:$0x3FA1]  }
0x2b: {  	s6 =	sld [smem:$0x3FA2]  }
0x2c: {  	s7 =	sld [smem:$0x3FA3]  }
0x2d: {  	s3 =	simm.s32 $0x108;
	s8 =	sld [smem:$0x3FA4]  }
0x2e: {  	s3 =	simm.s32 @!p0 $0x1082;
	s9 =	sld [smem:$0x3FA5]  }
0x2f: {  	lr =	sadd.s32 s0, s3;
	s0 =	sld [smem:$0x3F9C]  }
0x30: {  	s3 =	sld [smem:$0x3F9F]  }
0x31: {  	[smem:$0x3FA8] =	sst s10  }
0x32: {  	s10 =	sld [smem:$0x3FA6];
	_ =	sdelay $0x3  }
0x33: {  	p0 =	seq.s32 s10, $0x1;
	s10 =	sld [smem:$0x3FA8];
	_ =	sdelay $0x3  }
0x34: {  	[smem:$0x3FA8] =	sst s10  }
0x35: {  	s10 =	sld [smem:$0x3FA7];
	_ =	sdelay $0x3  }
0x36: {  	p1 =	seq.s32 s10, $0x1;
	s10 =	sld [smem:$0x3FA8];
	_ =	sdelay $0x3  }
0x37: {  	[smem:$0x3FA8] =	sst s10  }
0x38: {  	s10 =	sld [smem:$0x3FA9]  }
0x39: {  	_ = 	snop;
	(pc) =	sbr.ind lr, $3  }
0x3a: {  	_ = 	snop  }
0x3b: {  	_ = 	snop  }
0x3c: {  	p2 =	seq.s32 s10, $0x1;
	s10 =	sld [smem:$0x3FA8]  }
0x3d: {  	_ =	shalt  }
0x3e: {  	_ =	shalt  }
0x3f: {  	_ =	shalt  }
0x40: {  	_ =	shalt  }
0x41: {  	_ =	shalt  }
0x42: {  	_ =	shalt  }
0x43: {  	_ =	shalt  }
0x44: {  	_ =	shalt  }
0x45: {  	_ =	shalt  }
0x46: {  	_ =	shalt  }
0x47: {  	_ =	shalt  }
0x48: {  	_ =	shalt  }
0x49: {  	_ =	shalt  }
0x4a: {  	_ =	shalt  }
0x4b: {  	_ =	shalt  }
0x4c: {  	_ =	shalt  }
0x4d: {  	_ =	shalt  }
0x4e: {  	_ =	shalt  }
0x4f: {  	_ =	shalt  }
0x50: {  	_ =	shalt  }
0x51: {  	_ =	shalt  }
0x52: {  	_ =	shalt  }
0x53: {  	_ =	shalt  }
0x54: {  	_ =	shalt  }
0x55: {  	_ =	shalt  }
0x56: {  	_ =	shalt  }
0x57: {  	_ =	shalt  }
0x58: {  	_ =	shalt  }
0x59: {  	_ =	shalt  }
0x5a: {  	_ =	shalt  }
0x5b: {  	_ =	shalt  }
0x5c: {  	_ =	shalt  }
0x5d: {  	_ =	shalt  }
0x5e: {  	_ =	shalt  }
0x5f: {  	_ =	shalt  }
0x60: {  	_ =	shalt  }
0x61: {  	_ =	shalt  }
0x62: {  	_ =	shalt  }
0x63: {  	_ =	shalt  }
0x64: {  	_ =	shalt  }
0x65: {  	_ =	shalt  }
0x66: {  	_ =	shalt  }
0x67: {  	_ =	shalt  }
0x68: {  	_ =	shalt  }
0x69: {  	_ =	shalt  }
0x6a: {  	_ =	shalt  }
0x6b: {  	_ =	shalt  }
0x6c: {  	_ =	shalt  }
0x6d: {  	_ =	shalt  }
0x6e: {  	_ =	shalt  }
0x6f: {  	_ =	shalt  }
0x70: {  	_ =	shalt  }
0x71: {  	_ =	shalt  }
0x72: {  	_ =	shalt  }
0x73: {  	_ =	shalt  }
0x74: {  	_ =	shalt  }
0x75: {  	_ =	shalt  }
0x76: {  	_ =	shalt  }
0x77: {  	_ =	shalt  }
0x78: {  	_ =	shalt  }
0x79: {  	_ =	shalt  }
0x7a: {  	_ =	shalt  }
0x7b: {  	_ =	shalt  }
0x7c: {  	_ =	shalt  }
0x7d: {  	_ =	shalt  }
0x7e: {  	_ =	shalt  }
0x7f: {  	_ =	shalt  }
0x80: {  	_ =	shalt  }
0x81: {  	_ =	shalt  }
0x82: {  	_ =	shalt  }
0x83: {  	_ =	shalt  }
0x84: {  	_ =	shalt  }
0x85: {  	_ =	shalt  }
0x86: {  	_ =	shalt  }
0x87: {  	_ =	shalt  }
.Lfunc_end0:
.L_simem_size_0:
called_computation_lowered:
.L_overlay_start_0:
0x88: {  	s2 =	sld [smem:$0x3FD9]  }
0x89: {  	s3 =	sld [smem:$0x3FFE];
	_ =	sdelay $0x1  }
0x8a: {  	s1 =	srdreg.scid  }
0x8b: {  	s0 =	sand.u32 $0x1, s1  }
0x8c: {  	s17 =	sshll.u32 s0, $0xA;
	s2 =	sadd.s32 s3, s2  }
0x8d: {  	s2 =	sadd.s32 s2, s17  }
0x8e: {  	[smem:$0x3FB4] =	sst s2  }
0x8f: {  	_ = 	snop  }
0x90: {  	s2 =	sld [smem:$0x3FC9];
	(tm) =	ssettm $0x1  }
0x91: {  	s18 =	sld [smem:$0x3FFB];
	_ =	sdelay $0x3  }
0x92: {  	_ =	strace s18  }
0x93: {  	s3 =	sld [smem:$0x3FFC];
	_ =	sdelay $0x3  }
0x94: {  	_ =	strace s3  }
0x95: {  	s3 =	sld [smem:$0x3FFD];
	_ =	sdelay $0x3  }
0x96: {  	_ =	strace s3  }
0x97: {  	_ =	strace $0x8FFFFFFF  }
0x98: {  	s19 =	sld [smem:$0x3FDB];
	_ =	sdelay $0x1  }
0x99: {  	s4 =	simm.s32 $_scs_section_size  }
0x9a: {  	s5 =	simm.s32 $_size__tile_overlayer_lowered;
	s6 =	simm.s32 $_tile_overlayer_lowered  }
0x9b: {  	s22 =	simm.s32 $0x1BFF;
	s21 =	sshll.u32 s6, $0x1;
	s3 =	sadd.s32 s4, s19  }
0x9c: {  	s7 =	simm.s32 $0x0;
	s20 =	sshll.u32 s5, $0x1;
	s5 =	sadd.s32 s21, s3  }
0x9d: {  	[timem:s7], [sflag:s22] =	dma.local [hbm:s5], s20  }
0x9e: {  	_ =	swait.ge [sflag:s22], s20  }
0x9f: {  	s4 =	ssub.s32 $0x0, s20;
	[sflag:s22] =	ssyncset.done $0x0  }
0xa0: {  	[sflag:s22] =	ssyncadd.s32 s4;
	_ =	sdelay $0x1  }
0xa1: {  	s23 =	simm.s32 $0x1B8B  }
0xa2: {  	_ =	swait.ge [sflag:s23], $0x1  }
0xa3: {  	[sflag:s23] =	ssyncset.done $0x0  }
0xa4: {  	s25 =	simm.s32 $0x1B8E;
	s24 =	sld [smem:$0x3FFE];
	[sflag:s23] =	ssyncadd.s32 $0xFFFFFFFF  }
0xa5: {  	s26 =	simm.s32 $execute0_lowered;
	[smem:$0x3FD2] =	sst s25  }
0xa6: {  	s5 =	sshll.u32 s26, $0x1;
	_ =	strace $0x80000046;
	[dreg:$0x1] =	wrdreg $0xFFFFFFFF  }
0xa7: {  	s28 =	simm.s32 $_size_execute0_lowered;
	s3 =	sadd.s32 s3, s5;
	[dreg:$0x0] =	wrdreg $0x0  }
0xa8: {  	s5 =	sshll.u32 s28, $0x1;
	[dreg:$0x2] =	wrdreg s3  }
0xa9: {  	[dreg:$0x3] =	wrdreg s5  }
0xaa: {  	[dreg:$0x4] =	wrdreg $0xC0  }
0xab: {  	_ =	task [dreg:s7], $0x5FFFF  }
0xac: {  	[dreg:$0x1] =	wrdreg $0xFFFFFFFF  }
0xad: {  	[dreg:$0x0] =	wrdreg $0x60  }
0xae: {  	[dreg:$0x2] =	wrdreg s2  }
0xaf: {  	[dreg:$0x3] =	wrdreg s24  }
0xb0: {  	[dreg:$0x4] =	wrdreg $0x9  }
0xb1: {  	_ =	task.clear_ibuf [dreg:s7], $0x5FFFF;
	_ =	strace $0x90000046  }
0xb2: {  	s29 =	simm.s32 $0x9;
	_ =	strace $0x80000048  }
0xb3: {  	_ =	swait.ge [sflag:s29], $0x1  }
0xb4: {  	[sflag:s29] =	ssyncadd.s32 $0xFFFFFFFF  }
0xb5: {  	_ =	strace $0x90000048  }
0xb6: {  	_ =	sfence  }
0xb7: {  	s30 =	sld [smem:$0x0];
	_ =	sdelay $0x2  }
0xb8: {  	s31 =	sshll.u32 s1, $0xD;
	s1 =	sshrl.u32 s1, $0x2  }
0xb9: {  	s3 =	sand.u32 $0x4000, s31;
	s1 =	sadd.s32 s1, s30  }
0xba: {  	s0 =	sor.u32 s3, s0;
	s1 =	sshll.u32 s1, $0x11  }
0xbb: {  	s0 =	sor.u32 s1, s0  }
0xbc: {  	s0 =	sadd.s32 $0x8F2B, s0  }
0xbd: {  	[sflag:s0] =	ssyncadd.remote.s32 $0x1  }
0xbe: {  	_ =	sfence.sel $0xFFFF  }
0xbf: {  	[dreg:$0x0] =	wrdreg $0xFFFFFFFF;
	(pc) =	sbr.abs _section_cstart, $3  }
0xc0: {  	[dreg:$0x1] =	wrdreg $0xFFFFFFFF  }
0xc1: {  	_ =	task.clear_ibuf [dreg:s7], $0x2FFFF;
	_ =	strace $0x9FFFFFFF  }
0xc2: {  	(tm) =	ssettm $0x7FFFFFFF  }
0xc3: {  	_ =	shalt  }
tec
execute0_lowered:
.L_overlay_start_1:
0x0: {  	(tag) =	ssettag $0x1  }
0x1: {  	s2 =	rddreg [dreg:$0x0]  }
0x2: {  	s0 =	srdreg.scid;
	s16 =	stileid.u32  }
0x3: {  	s1 =	rddreg [dreg:$0x1];
	s3 =	simm.s32 $0x0;
	s28 =	simm.s32 $0x7  }
0x4: {  	s30 =	simm.s32 $0x7128;
	s31 =	simm.s32 $0x0;
	s11 =	smul.u32 $0x2710, s16  }
0x5: {  	s0 =	sand.u32 $0x1, s0;
	s4 =	sshll.u32 s16, $0x1;
	s16 =	smul.u32 $0x27100, s16  }
0x6: {  	[smem:$0x7FF] =	sst s3;
	s14 =	sadd.s32 $0x3600, s1;
	s12 =	smul.u32 $0x1388, s0  }
0x7: {  	s7 =	sor.u32 s0, s4;
	s19 =	ssub.s32 $0x2, s0;
	s18 =	smul.u32 $0x13880, s0  }
0x8: {  	s1 =	sadd.s32 $0xD600, s1;
	s5 =	smul.u32 $0x1388, s7;
	s6 =	sshrl.u32 s19, $0x1  }
0x9: {  	_ =	strace $0x80000047;
	s13 =	smul.u32 $0x13880, s7;
	s9 =	ssub.s32 s19, s6  }
0xa: {  	s15 =	sadd.s32 s12, s11;
	s19 =	simm.s32 $0xE0;
	s8 =	sshrl.u32 s5, $0x3  }
0xb: {  	s10 =	sadd.s32 $0x70, s5;
	s21 =	sadd.s32 $0x1340, s5;
	s12 =	sadd.s32 $0x230, s15  }
0xc: {  	s17 =	sshll.u32 s15, $0x4;
	s15 =	sadd.s32 $0x1C0, s15;
	s4 =	sadd.s32 s14, s8  }
0xd: {  	s20 =	sshrl.u32 s10, $0x3;
	s23 =	sshrl.u32 s21, $0x3;
	s8 =	sshll.u32 s21, $0x4  }
0xe: {  	s25 =	sshll.u32 s10, $0x4;
	s26 =	sshrl.u32 s12, $0x3;
	s29 =	sadd.s32 s1, s17  }
0xf: {  	s15 =	sshrl.u32 s15, $0x3;
	s17 =	simm.s32 $0x70;
	s21 =	simm.s32 $0x2  }
0x10: {  	s22 =	sadd.s32 s14, s20;
	s24 =	sadd.s32 s14, s23;
	s7 =	sadd.s32 s1, s8  }
0x11: {  	s8 =	smax.u32 s9, $0x1;
	s9 =	sadd.s32 s1, s13;
	s10 =	sadd.s32 $0x1C, s4  }
0x12: {  	s11 =	sadd.s32 s1, s25;
	s12 =	sadd.s32 $0x2A, s4;
	s13 =	sadd.s32 s26, s14  }
.Ltmp0:
0x13: {  	s1 =	sadd.s32 s16, s1;
	s0 =	sadd.s32 $0x1500, s29;
	(pc) =	sbr.rel .LBB2_1-.Ltmp0, $4  }
0x14: {  	s15 =	sadd.s32 s15, s14;
	s20 =	simm.s32 $0x3;
	s23 =	simm.s32 $0x4  }
0x15: {  	s25 =	simm.s32 $0x6;
	s26 =	simm.s32 $0x70E0;
	[dreg:$0x3] =	wrdreg s22  }
0x16: {  	[dreg:$0x4] =	wrdreg s24;
	s1 =	sadd.s32 s18, s1;
	s18 =	simm.s32 $0x1  }
0x17: {  	s22 =	simm.s32 $0x38E0;
	s24 =	simm.s32 $0x5;
	s1 =	sadd.s32 $0xE00, s1  }
.LBB2_4:
0x18: {  	_ =	swait.ge [sflag:s24], $0x3800  }
0x19: {  	[sflag:s24] =	ssyncset.done $0x0  }
0x1a: {  	[sflag:s24] =	ssyncadd.s32 $0xFFFFC800  }
0x1b: {  	_ =	swait.ge [sflag:s25], $0x3800  }
0x1c: {  	[sflag:s25] =	ssyncset.done $0x0  }
0x1d: {  	s5 =	rddreg [dreg:$0x4];
	[sflag:s25] =	ssyncadd.s32 $0xFFFFC800  }
0x1e: {  	[tilespmem:s26], [sflag:$0x7] =	stream.linear.gather [hbm4b:s5+s3], $0x48, $0x38;
	[tilespmem:$0x9528] =	vst v63  }
0x1f: {  	_ =	swait.ge [sflag:s28], $0x48  }
0x20: {  	[sflag:s28] =	ssyncset.done $0x0  }
0x21: {  	s29 =	simm.s32 $0x48;
	[sflag:s28] =	ssyncadd.s32 $0xFFFFFFB8  }
0x22: {  	[tilespmem:s30], [sflag:$0x3] =	stream.indirect.gather [hbm4b:s2+s29], $0x80, s26, s29, $0xb8;
	[tilespmem:$0x9528] =	vst v63  }
0x23: {  	s31 =	sadd.s32 $0x1, s31;
	_ =	swait.ge [sflag:s20], $0x2400  }
0x24: {  	p0 =	sne.s32 s31, s8;
	[sflag:s20] =	ssyncset.done $0x0  }
.Ltmp1:
0x25: {  	[sflag:s20] =	ssyncadd.s32 $0xFFFFDC00;
	(pc) =	sbr.rel @!p0 .LBB2_5-.Ltmp1, $4  }
0x26: {  	[hbm4b:s7+s3] =	stream.linear.scatter [tilespmem:s30], [sflag:$0x7], $0x2400, $0x38;
	[tilespmem:$0x9528] =	vst v63  }
0x27: {  	_ =	swait.ge [sflag:s28], $0x2400  }
0x28: {  	[sflag:s28] =	ssyncset.done $0x0  }
0x29: {  	[sflag:s28] =	ssyncadd.s32 $0xFFFFDC00  }
.LBB2_1:
0x2a: {  	[tilespmem:s3], [sflag:$0x1] =	stream.linear.gather [hbm4b:s4+s3], $0x70, $0x38;
	[tilespmem:$0x9528] =	vst v63  }
0x2b: {  	s5 =	rddreg [dreg:$0x3]  }
0x2c: {  	[tilespmem:s17], [sflag:$0x2] =	stream.linear.gather [hbm4b:s5+s3], $0x70, $0x38;
	[tilespmem:$0x9528] =	vst v63  }
0x2d: {  	_ =	swait.ge [sflag:s18], $0x70  }
0x2e: {  	[sflag:s18] =	ssyncset.done $0x0  }
0x2f: {  	[sflag:s18] =	ssyncadd.s32 $0xFFFFFF90  }
0x30: {  	[tilespmem:s19], [sflag:$0x3] =	stream.indirect.gather [hbm4b:s2+s17], $0x80, s3, s17, $0xb8;
	[tilespmem:$0x9528] =	vst v63  }
0x31: {  	_ =	swait.ge [sflag:s20], $0x3800  }
0x32: {  	[sflag:s20] =	ssyncset.done $0x0  }
0x33: {  	[sflag:s20] =	ssyncadd.s32 $0xFFFFC800  }
0x34: {  	[hbm4b:s9+s3] =	stream.linear.scatter [tilespmem:s19], [sflag:$0x5], $0x3800, $0x38;
	[tilespmem:$0x9528] =	vst v63  }
0x35: {  	_ = 	snop  }
0x36: {  	[tilespmem:s3], [sflag:$0x1] =	stream.linear.gather [hbm4b:s10+s3], $0x70, $0x38;
	[tilespmem:$0x9528] =	vst v63  }
0x37: {  	_ =	swait.ge [sflag:s21], $0x70  }
0x38: {  	[sflag:s21] =	ssyncset.done $0x0  }
0x39: {  	[sflag:s21] =	ssyncadd.s32 $0xFFFFFF90  }
0x3a: {  	[tilespmem:s22], [sflag:$0x4] =	stream.indirect.gather [hbm4b:s2+s17], $0x80, s17, s17, $0xb8;
	[tilespmem:$0x9528] =	vst v63  }
0x3b: {  	_ =	swait.ge [sflag:s23], $0x3800  }
0x3c: {  	[sflag:s23] =	ssyncset.done $0x0  }
0x3d: {  	[sflag:s23] =	ssyncadd.s32 $0xFFFFC800  }
0x3e: {  	[hbm4b:s11+s3] =	stream.linear.scatter [tilespmem:s22], [sflag:$0x6], $0x3800, $0x38;
	[tilespmem:$0x9528] =	vst v63  }
0x3f: {  	s16 =	smov.u32 s1;
	s14 =	smov.u32 s0;
	s29 =	simm.s32 $0x0  }
0x40: {  	[tilespmem:s17], [sflag:$0x2] =	stream.linear.gather [hbm4b:s12+s3], $0x70, $0x38;
	[tilespmem:$0x9528] =	vst v63  }
.LBB2_2:
0x41: {  	_ =	swait.ge [sflag:s18], $0x70  }
0x42: {  	[sflag:s18] =	ssyncset.done $0x0  }
0x43: {  	[sflag:s18] =	ssyncadd.s32 $0xFFFFFF90  }
0x44: {  	_ =	swait.ge [sflag:s24], $0x3800  }
0x45: {  	[sflag:s24] =	ssyncset.done $0x0  }
0x46: {  	[sflag:s24] =	ssyncadd.s32 $0xFFFFC800  }
0x47: {  	[tilespmem:s19], [sflag:$0x3] =	stream.indirect.gather [hbm4b:s2+s17], $0x80, s3, s17, $0xb8;
	[tilespmem:$0x9528] =	vst v63  }
0x48: {  	_ =	swait.ge [sflag:s20], $0x3800  }
0x49: {  	[sflag:s20] =	ssyncset.done $0x0  }
0x4a: {  	p0 =	seq.s32 s29, $0x230;
	[sflag:s20] =	ssyncadd.s32 $0xFFFFC800  }
0x4b: {  	[hbm4b:s16+s3] =	stream.linear.scatter [tilespmem:s19], [sflag:$0x5], $0x3800, $0x38;
	[tilespmem:$0x9528] =	vst v63  }
0x4c: {  	s5 =	sadd.s32 @!p0 s29, s15;
	s6 =	simm.s32 @!p0 $0x0  }
0x4d: {  	[tilespmem:s6], [sflag:$0x1] =	stream.linear.gather @!p0 [hbm4b:s5+s6], $0x70, $0x38;
	[tilespmem:$0x9528] =	vst v63  }
0x4e: {  	_ =	swait.ge [sflag:s21], $0x70  }
0x4f: {  	[sflag:s21] =	ssyncset.done $0x0  }
0x50: {  	[sflag:s21] =	ssyncadd.s32 $0xFFFFFF90  }
0x51: {  	_ =	swait.ge [sflag:s25], $0x3800  }
0x52: {  	[sflag:s25] =	ssyncset.done $0x0  }
0x53: {  	[sflag:s25] =	ssyncadd.s32 $0xFFFFC800  }
0x54: {  	[tilespmem:s22], [sflag:$0x4] =	stream.indirect.gather [hbm4b:s2+s17], $0x80, s17, s17, $0xb8;
	[tilespmem:$0x9528] =	vst v63  }
.Ltmp2:
0x55: {  	_ = 	snop;
	(pc) =	sbr.rel @p0 .LBB2_4-.Ltmp2, $4  }
0x56: {  	_ =	swait.ge [sflag:s23], $0x3800  }
0x57: {  	[sflag:s23] =	ssyncset.done $0x0  }
0x58: {  	[sflag:s23] =	ssyncadd.s32 $0xFFFFC800  }
0x59: {  	[hbm4b:s14+s3] =	stream.linear.scatter [tilespmem:s22], [sflag:$0x6], $0x3800, $0x38;
	[tilespmem:$0x9528] =	vst v63  }
.Ltmp3:
0x5a: {  	(pc) =	sbr.rel .LBB2_2-.Ltmp3, $4  }
0x5b: {  	_ = 	snop  }
0x5c: {  	s5 =	sadd.s32 s29, s13  }
0x5d: {  	s29 =	sadd.s32 $0x1C, s29;
	s14 =	sadd.s32 $0xE00, s14;
	s16 =	sadd.s32 $0xE00, s16  }
0x5e: {  	[tilespmem:s17], [sflag:$0x2] =	stream.linear.gather [hbm4b:s5+s3], $0x70, $0x38;
	[tilespmem:$0x9528] =	vst v63  }
.LBB2_5:
0x5f: {  	_ =	sfence.sel $0x180000  }
0x60: {  	[bflag:$0x0] =	sbarrier.arrive $0xFFFF  }
0x61: {  	_ =	strace $0x90000047  }
0x62: {  	s0 =	stileid.u32;
	[bflag:$0x2] =	sbarrier.arrive $0xFFFF  }
0x63: {  	p0 =	sne.s32 s0, $0x0;
	s0 =	rddreg [dreg:$0x2]  }
0x64: {  	s0 =	sadd.s32 @!p0 $0x100000, s0  }
0x65: {  	[sflag:s0] =	ssyncadd.tile.s32 @!p0 $0x1;
	_ =	shalt  }
.Lfunc_end2:
_tile_overlayer_lowered:
.L_overlay_start_2:
0x66: {  	(tag) =	ssettag $0x2  }
0x67: {  	s0 =	rddreg [dreg:$0x0];
	s2 =	stileid.u32  }
0x68: {  	s1 =	rddreg [dreg:$0x1];
	p0 =	sne.s32 s2, $0x0  }
0x69: {  	s3 =	rddreg [dreg:$0x2];
	[bflag:$0x3] =	sbarrier.arrive $0xFFFF;
	s2 =	simm.s32 @!p0 $0x1C07  }
0x6a: {  	[timem:s3], [sflag:s2] =	dma.local @!p0 [hbm:s0], s1  }
0x6b: {  	s0 =	simm.s32 @!p0 $0x7  }
0x6c: {  	_ =	swait.ge @!p0 [sflag:s0], s1  }
0x6d: {  	s1 =	ssub.s32 @!p0 $0x0, s1;
	[sflag:s0] =	ssyncset.done @!p0 $0x0  }
0x6e: {  	[sflag:s0] =	ssyncadd.s32 @!p0 s1  }
0x6f: {  	[bflag:$0x3] =	sbarrier.arrive $0xFFFF  }
0x70: {  	_ =	shalt  }

// kernel: kernel.13.cloned.1.call-start
scs
__scs_entry_jumppad:
0x0: {  	(pc) =	sbr.rel $0x88, $3  }
0x1: {  	(tag) =	ssettag $0x0;
	lr =	simm.s32 $0x1  }
0x2: {  	[smem:$0x3F8D] =	sst lr;
	_ =	strace $0xD0000000  }
0x3: {  	_ = 	snop  }
0x4: {  	_ = 	snop  }
0x5: {  	_ = 	snop  }
0x6: {  	_ = 	snop  }
0x7: {  	_ = 	snop  }
__scs_overlays_trampoline_lowered:
0x8: {  	[smem:$0x3F9C] =	sst s0  }
0x9: {  	[smem:$0x3F9D] =	sst s1  }
0xa: {  	[smem:$0x3F9E] =	sst s2  }
0xb: {  	[smem:$0x3F9F] =	sst s3  }
0xc: {  	[smem:$0x3FA0] =	sst s4  }
0xd: {  	[smem:$0x3FA1] =	sst s5  }
0xe: {  	[smem:$0x3FA2] =	sst s6  }
0xf: {  	[smem:$0x3FA3] =	sst s7  }
0x10: {  	[smem:$0x3FA4] =	sst s8  }
0x11: {  	[smem:$0x3FA5] =	sst s9;
	s0 =	simm.s32 @!p0 $0x0  }
0x12: {  	s1 =	sld [smem:$0x3F8B];
	s0 =	simm.s32 @p0 $0x1  }
0x13: {  	[smem:$0x3FA6] =	sst s0;
	s0 =	simm.s32 @!p1 $0x0  }
0x14: {  	s2 =	sld [smem:$0x3F8A];
	s0 =	simm.s32 @p1 $0x1  }
0x15: {  	[smem:$0x3FA7] =	sst s0;
	s0 =	simm.s32 @!p2 $0x0  }
0x16: {  	s3 =	sld [smem:$0x3FDB];
	s0 =	simm.s32 @p2 $0x1  }
0x17: {  	s4 =	simm.s32 $0x1BF5;
	[smem:$0x3FA9] =	sst s0  }
0x18: {  	s0 =	sld [smem:$0x3F8C];
	_ =	swait.ge [sflag:s4], $0x0  }
0x19: {  	s7 =	sld [smem:$0x3F8D]  }
0x1a: {  	s8 =	sadd.s32 $0xFFFFE003, lr  }
0x1b: {  	s9 =	sadd.s32 $0xFFFFFEF7, lr;
	s5 =	simm.s32 $0xFFFFFFFF;
	p2 =	slt.u32 s8, $0xFFFFF086  }
0x1c: {  	p1 =	slt.u32 s9, $0xF7A;
	s5 =	simm.s32 @!p2 $0x0  }
0x1d: {  	s5 =	simm.s32 @p1 $0x1;
	p0 =	seq.s32 s7, s2  }
0x1e: {  	s7 =	smul.u32 @!p0 $0xF7A, s2;
	p2 =	seq.s32 @!p0 s5, $0x0  }
0x1f: {  	s9 =	smul.u32 $0xF7A, s1;
	s8 =	simm.s32 @!p0 $0x1BF5;
	p2 =	por !p2, p0  }
0x20: {  	[sflag:s8] =	ssyncset.s32 @!p0 $0xFFFFF086;
	s6 =	sadd.s32 @!p0 s3, s7;
	s7 =	simm.s32 @!p0 $0x108  }
0x21: {  	s3 =	sadd.s32 s3, s9;
	s6 =	sadd.s32 @!p0 $0x88, s6;
	s7 =	simm.s32 @p2 $0x1082  }
0x22: {  	[simem:s7], [sflag:s8] =	dma.local @!p0 [hbm:s6], $0xF7A  }
0x23: {  	s9 =	sor.u32 $0xD0000000, s2;
	s6 =	simm.s32 $0x108;
	_ =	swait.ge @!p0 [sflag:s8], $0x0  }
0x24: {  	s3 =	sadd.s32 $0x88, s3;
	s6 =	simm.s32 @!p1 $0x1082;
	[sflag:s4] =	ssyncset.s32 $0xFFFFF086  }
0x25: {  	[simem:s6], [sflag:s4] =	dma.local [hbm:s3], $0xF7A  }
0x26: {  	[smem:$0x3F8D] =	sst s1;
	(tag) =	ssettag s2;
	_ =	strace s9  }
0x27: {  	s1 =	sld [smem:$0x3F9D]  }
0x28: {  	s2 =	sld [smem:$0x3F9E]  }
0x29: {  	s4 =	sld [smem:$0x3FA0]  }
0x2a: {  	p0 =	seq.s32 s5, $0x0;
	s5 =	sld [smem:$0x3FA1]  }
0x2b: {  	s6 =	sld [smem:$0x3FA2]  }
0x2c: {  	s7 =	sld [smem:$0x3FA3]  }
0x2d: {  	s3 =	simm.s32 $0x108;
	s8 =	sld [smem:$0x3FA4]  }
0x2e: {  	s3 =	simm.s32 @!p0 $0x1082;
	s9 =	sld [smem:$0x3FA5]  }
0x2f: {  	lr =	sadd.s32 s0, s3;
	s0 =	sld [smem:$0x3F9C]  }
0x30: {  	s3 =	sld [smem:$0x3F9F]  }
0x31: {  	[smem:$0x3FA8] =	sst s10  }
0x32: {  	s10 =	sld [smem:$0x3FA6];
	_ =	sdelay $0x3  }
0x33: {  	p0 =	seq.s32 s10, $0x1;
	s10 =	sld [smem:$0x3FA8];
	_ =	sdelay $0x3  }
0x34: {  	[smem:$0x3FA8] =	sst s10  }
0x35: {  	s10 =	sld [smem:$0x3FA7];
	_ =	sdelay $0x3  }
0x36: {  	p1 =	seq.s32 s10, $0x1;
	s10 =	sld [smem:$0x3FA8];
	_ =	sdelay $0x3  }
0x37: {  	[smem:$0x3FA8] =	sst s10  }
0x38: {  	s10 =	sld [smem:$0x3FA9]  }
0x39: {  	_ = 	snop;
	(pc) =	sbr.ind lr, $3  }
0x3a: {  	_ = 	snop  }
0x3b: {  	_ = 	snop  }
0x3c: {  	p2 =	seq.s32 s10, $0x1;
	s10 =	sld [smem:$0x3FA8]  }
0x3d: {  	_ =	shalt  }
0x3e: {  	_ =	shalt  }
0x3f: {  	_ =	shalt  }
0x40: {  	_ =	shalt  }
0x41: {  	_ =	shalt  }
0x42: {  	_ =	shalt  }
0x43: {  	_ =	shalt  }
0x44: {  	_ =	shalt  }
0x45: {  	_ =	shalt  }
0x46: {  	_ =	shalt  }
0x47: {  	_ =	shalt  }
0x48: {  	_ =	shalt  }
0x49: {  	_ =	shalt  }
0x4a: {  	_ =	shalt  }
0x4b: {  	_ =	shalt  }
0x4c: {  	_ =	shalt  }
0x4d: {  	_ =	shalt  }
0x4e: {  	_ =	shalt  }
0x4f: {  	_ =	shalt  }
0x50: {  	_ =	shalt  }
0x51: {  	_ =	shalt  }
0x52: {  	_ =	shalt  }
0x53: {  	_ =	shalt  }
0x54: {  	_ =	shalt  }
0x55: {  	_ =	shalt  }
0x56: {  	_ =	shalt  }
0x57: {  	_ =	shalt  }
0x58: {  	_ =	shalt  }
0x59: {  	_ =	shalt  }
0x5a: {  	_ =	shalt  }
0x5b: {  	_ =	shalt  }
0x5c: {  	_ =	shalt  }
0x5d: {  	_ =	shalt  }
0x5e: {  	_ =	shalt  }
0x5f: {  	_ =	shalt  }
0x60: {  	_ =	shalt  }
0x61: {  	_ =	shalt  }
0x62: {  	_ =	shalt  }
0x63: {  	_ =	shalt  }
0x64: {  	_ =	shalt  }
0x65: {  	_ =	shalt  }
0x66: {  	_ =	shalt  }
0x67: {  	_ =	shalt  }
0x68: {  	_ =	shalt  }
0x69: {  	_ =	shalt  }
0x6a: {  	_ =	shalt  }
0x6b: {  	_ =	shalt  }
0x6c: {  	_ =	shalt  }
0x6d: {  	_ =	shalt  }
0x6e: {  	_ =	shalt  }
0x6f: {  	_ =	shalt  }
0x70: {  	_ =	shalt  }
0x71: {  	_ =	shalt  }
0x72: {  	_ =	shalt  }
0x73: {  	_ =	shalt  }
0x74: {  	_ =	shalt  }
0x75: {  	_ =	shalt  }
0x76: {  	_ =	shalt  }
0x77: {  	_ =	shalt  }
0x78: {  	_ =	shalt  }
0x79: {  	_ =	shalt  }
0x7a: {  	_ =	shalt  }
0x7b: {  	_ =	shalt  }
0x7c: {  	_ =	shalt  }
0x7d: {  	_ =	shalt  }
0x7e: {  	_ =	shalt  }
0x7f: {  	_ =	shalt  }
0x80: {  	_ =	shalt  }
0x81: {  	_ =	shalt  }
0x82: {  	_ =	shalt  }
0x83: {  	_ =	shalt  }
0x84: {  	_ =	shalt  }
0x85: {  	_ =	shalt  }
0x86: {  	_ =	shalt  }
0x87: {  	_ =	shalt  }
.Lfunc_end0:
.L_simem_size_0:
called_computation.1_lowered:
.L_overlay_start_0:
0x88: {  	s2 =	sld [smem:$0x3FD9]  }
0x89: {  	s3 =	sld [smem:$0x3FFE];
	_ =	sdelay $0x1  }
0x8a: {  	s1 =	srdreg.scid  }
0x8b: {  	s0 =	sand.u32 $0x1, s1  }
0x8c: {  	s16 =	sshll.u32 s0, $0xA;
	s2 =	sadd.s32 s3, s2  }
0x8d: {  	s2 =	sadd.s32 s2, s16  }
0x8e: {  	[smem:$0x3FB4] =	sst s2  }
0x8f: {  	_ = 	snop  }
0x90: {  	(tm) =	ssettm $0x1  }
0x91: {  	s17 =	sld [smem:$0x3FFB];
	_ =	sdelay $0x3  }
0x92: {  	_ =	strace s17  }
0x93: {  	s2 =	sld [smem:$0x3FFC];
	_ =	sdelay $0x3  }
0x94: {  	_ =	strace s2  }
0x95: {  	s2 =	sld [smem:$0x3FFD];
	_ =	sdelay $0x3  }
0x96: {  	_ =	strace s2  }
0x97: {  	_ =	strace $0x8FFFFFFF  }
0x98: {  	s18 =	sld [smem:$0x3FDB];
	_ =	sdelay $0x1  }
0x99: {  	s19 =	simm.s32 $_scs_section_size  }
0x9a: {  	s4 =	simm.s32 $_size__tile_overlayer_lowered;
	s5 =	simm.s32 $_tile_overlayer_lowered  }
0x9b: {  	s22 =	simm.s32 $0x1BFF;
	s21 =	sshll.u32 s5, $0x1;
	s2 =	sadd.s32 s19, s18  }
0x9c: {  	s6 =	simm.s32 $0x0;
	s20 =	sshll.u32 s4, $0x1;
	s4 =	sadd.s32 s21, s2  }
0x9d: {  	[timem:s6], [sflag:s22] =	dma.local [hbm:s4], s20  }
0x9e: {  	_ =	swait.ge [sflag:s22], s20  }
0x9f: {  	s3 =	ssub.s32 $0x0, s20;
	[sflag:s22] =	ssyncset.done $0x0  }
0xa0: {  	[sflag:s22] =	ssyncadd.s32 s3;
	_ =	sdelay $0x1  }
0xa1: {  	s23 =	simm.s32 $0x1B8B  }
0xa2: {  	_ =	swait.ge [sflag:s23], $0x1  }
0xa3: {  	[sflag:s23] =	ssyncset.done $0x0  }
0xa4: {  	s25 =	simm.s32 $0x1B8E;
	s24 =	sld [smem:$0x3FFE];
	[sflag:s23] =	ssyncadd.s32 $0xFFFFFFFF  }
0xa5: {  	s26 =	simm.s32 $execute0_lowered;
	[smem:$0x3FD2] =	sst s25  }
0xa6: {  	s4 =	sshll.u32 s26, $0x1;
	_ =	strace $0x80000049;
	[dreg:$0x1] =	wrdreg $0xFFFFFFFF  }
0xa7: {  	s28 =	simm.s32 $_size_execute0_lowered;
	s2 =	sadd.s32 s2, s4;
	[dreg:$0x0] =	wrdreg $0x0  }
0xa8: {  	s4 =	sshll.u32 s28, $0x1;
	[dreg:$0x2] =	wrdreg s2  }
0xa9: {  	[dreg:$0x3] =	wrdreg s4  }
0xaa: {  	[dreg:$0x4] =	wrdreg $0xC0  }
0xab: {  	_ =	task [dreg:s6], $0x5FFFF  }
0xac: {  	[dreg:$0x1] =	wrdreg $0xFFFFFFFF  }
0xad: {  	[dreg:$0x0] =	wrdreg $0x60  }
0xae: {  	[dreg:$0x2] =	wrdreg s24  }
0xaf: {  	[dreg:$0x3] =	wrdreg $0x13A80  }
0xb0: {  	[dreg:$0x4] =	wrdreg $0x9  }
0xb1: {  	_ =	task.clear_ibuf [dreg:s6], $0x5FFFF;
	_ =	strace $0x90000049  }
0xb2: {  	s29 =	simm.s32 $0x9;
	_ =	strace $0x8000004B  }
0xb3: {  	_ =	swait.ge [sflag:s29], $0x1  }
0xb4: {  	[sflag:s29] =	ssyncadd.s32 $0xFFFFFFFF  }
0xb5: {  	_ =	strace $0x9000004B  }
0xb6: {  	_ =	sfence  }
0xb7: {  	s30 =	sld [smem:$0x0];
	_ =	sdelay $0x2  }
0xb8: {  	s31 =	sshll.u32 s1, $0xD;
	s1 =	sshrl.u32 s1, $0x2  }
0xb9: {  	s3 =	sand.u32 $0x4000, s31;
	s1 =	sadd.s32 s1, s30  }
0xba: {  	s0 =	sor.u32 s3, s0;
	s1 =	sshll.u32 s1, $0x11  }
0xbb: {  	s0 =	sor.u32 s1, s0  }
0xbc: {  	s0 =	sadd.s32 $0x8F2B, s0  }
0xbd: {  	[sflag:s0] =	ssyncadd.remote.s32 $0x1  }
0xbe: {  	_ =	sfence.sel $0xFFFF  }
0xbf: {  	[dreg:$0x0] =	wrdreg $0xFFFFFFFF;
	(pc) =	sbr.abs _section_cstart, $3  }
0xc0: {  	[dreg:$0x1] =	wrdreg $0xFFFFFFFF  }
0xc1: {  	_ =	task.clear_ibuf [dreg:s6], $0x2FFFF;
	_ =	strace $0x9FFFFFFF  }
0xc2: {  	(tm) =	ssettm $0x7FFFFFFF  }
0xc3: {  	_ =	shalt  }
tec
execute0_lowered:
.L_overlay_start_1:
0x0: {  	(tag) =	ssettag $0x1  }
0x1: {  	s0 =	rddreg [dreg:$0x0]  }
0x2: {  	s1 =	rddreg [dreg:$0x1];
	s2 =	simm.s32 $0x0;
	s3 =	srdreg.scid  }
0x3: {  	s25 =	stileid.u32;
	s28 =	simm.s32 $0xEE0;
	s29 =	simm.s32 $0xF28  }
0x4: {  	s31 =	simm.s32 $0x0;
	[smem:$0x7FF] =	sst s2;
	s4 =	sadd.s32 $0xD600, s0  }
0x5: {  	s6 =	sand.u32 $0x1, s3;
	s3 =	sadd.s32 $0x8600, s0;
	s7 =	sadd.s32 $0x5B800, s0  }
0x6: {  	s17 =	smul.u32 $0x9C40, s25;
	s8 =	sshll.u32 s25, $0x1;
	s19 =	sshll.u32 s25, $0x6  }
0x7: {  	s11 =	smul.u32 $0x2710, s25;
	p0 =	sne.s32 s25, $0x0;
	s25 =	simm.s32 $0x2  }
0x8: {  	_ =	strace $0x8000004A;
	s5 =	smul.u32 $0x4E20, s6;
	[dreg:$0x3] =	wrdreg s7  }
0x9: {  	s18 =	ssub.s32 $0x2, s6;
	s8 =	sor.u32 s6, s8;
	s6 =	smul.u32 $0x1388, s6  }
0xa: {  	s9 =	sshrl.u32 s18, $0x1;
	s7 =	sshrl.u32 s17, $0x2;
	s10 =	smul.u32 $0x1388, s8  }
0xb: {  	s8 =	smul.u32 $0x2710, s8;
	s0 =	sadd.s32 s5, s0;
	s13 =	ssub.s32 s18, s9  }
0xc: {  	s18 =	sadd.s32 s7, s1;
	s5 =	sor.u32 $0x1C05, s19;
	s6 =	sadd.s32 s6, s11  }
0xd: {  	s19 =	simm.s32 $0x5;
	s20 =	sshrl.u32 s10, $0x3;
	s21 =	sadd.s32 $0x70, s10  }
0xe: {  	s22 =	sadd.s32 s4, s8;
	s12 =	sadd.s32 $0x1340, s10;
	s14 =	sadd.s32 $0x150, s6  }
0xf: {  	s13 =	smax.u32 s13, $0x1;
	s18 =	sshrl.u32 s18, $0x3;
	s7 =	sadd.s32 s3, s20  }
0x10: {  	[dreg:$0x5] =	wrdreg s22;
	s23 =	sshrl.u32 s21, $0x3;
	s9 =	sshll.u32 s21, $0x1  }
0x11: {  	s10 =	sshrl.u32 s12, $0x3;
	s24 =	sshll.u32 s12, $0x1;
	s12 =	sadd.s32 $0x5BE00, s0  }
0x12: {  	s26 =	sshrl.u32 s14, $0x3;
	s14 =	sadd.s32 $0xE0, s6;
	s20 =	simm.s32 $0xE0  }
0x13: {  	s21 =	simm.s32 $0x70;
	s22 =	simm.s32 $0x7E0;
	[dreg:$0x4] =	wrdreg s7  }
0x14: {  	s8 =	sadd.s32 s3, s23;
	s9 =	sadd.s32 s4, s9;
	s10 =	sadd.s32 s3, s10  }
0x15: {  	s11 =	sadd.s32 s4, s24;
	s15 =	sshll.u32 s26, $0x4;
	s16 =	sadd.s32 s26, s3  }
0x16: {  	s30 =	sshll.u32 s14, $0x1;
	s23 =	simm.s32 $0x1;
	s24 =	simm.s32 $0x3  }
0x17: {  	s26 =	simm.s32 $0x4;
	s15 =	sadd.s32 s15, s4;
	s17 =	sadd.s32 s30, s4  }
.LBB2_1:
0x18: {  	s0 =	rddreg [dreg:$0x3]  }
0x19: {  	[spmem:s18], [sflag:s5] =	dma.local [hbm:s0], $0x4E2  }
0x1a: {  	_ =	swait.ge [sflag:s19], $0x4E2  }
0x1b: {  	[sflag:s19] =	ssyncset.done $0x0  }
0x1c: {  	[sflag:s19] =	ssyncadd.s32 $0xFFFFFB1E  }
0x1d: {  	[bflag:$0x0] =	sbarrier.arrive $0xFFFF  }
0x1e: {  	s7 =	rddreg [dreg:$0x4]  }
0x1f: {  	[tilespmem:s2], [sflag:$0x1] =	stream.linear.gather [hbm4b:s7+s2], $0x70, $0x38;
	[tilespmem:$0x3AB8] =	vst v63  }
0x20: {  	s4 =	rddreg [dreg:$0x5]  }
0x21: {  	[tilespmem:s20], [sflag:$0x3] =	stream.linear.gather [hbm4b:s4+s2], $0x700, $0x38;
	[tilespmem:$0x3AB8] =	vst v63  }
0x22: {  	_ = 	snop  }
0x23: {  	[tilespmem:s21], [sflag:$0x2] =	stream.linear.gather [hbm4b:s8+s2], $0x70, $0x38;
	[tilespmem:$0x3AB8] =	vst v63  }
0x24: {  	_ = 	snop  }
0x25: {  	[tilespmem:s22], [sflag:$0x4] =	stream.linear.gather [hbm4b:s9+s2], $0x700, $0x38;
	[tilespmem:$0x3AB8] =	vst v63  }
0x26: {  	_ =	swait.ge [sflag:s23], $0x70  }
0x27: {  	[sflag:s23] =	ssyncset.done $0x0  }
0x28: {  	[sflag:s23] =	ssyncadd.s32 $0xFFFFFF90  }
0x29: {  	_ =	swait.ge [sflag:s24], $0x700  }
0x2a: {  	[sflag:s24] =	ssyncset.done $0x0  }
0x2b: {  	[sflag:s24] =	ssyncadd.s32 $0xFFFFF900  }
0x2c: {  	[spmem:s1] =	stream.indirect.scatter.add.f32 [tilespmem:s20], [sflag:$0x5], $0x10, s2, s21, $0xb8;
	[tilespmem:$0x3AB8] =	vst v63  }
0x2d: {  	_ =	swait.ge [sflag:s19], $0x700  }
0x2e: {  	s6 =	sshrl.u32 s14, $0x3;
	[sflag:s19] =	ssyncset.done $0x0  }
0x2f: {  	s0 =	sadd.s32 s3, s6;
	[sflag:s19] =	ssyncadd.s32 $0xFFFFF900  }
0x30: {  	[tilespmem:s2], [sflag:$0x1] =	stream.linear.gather [hbm4b:s0+s2], $0x70, $0x38;
	[tilespmem:$0x3AB8] =	vst v63  }
0x31: {  	s7 =	sadd.s32 $0x0, s17  }
0x32: {  	[tilespmem:s20], [sflag:$0x3] =	stream.linear.gather [hbm4b:s7+s2], $0x700, $0x38;
	[tilespmem:$0x3AB8] =	vst v63  }
0x33: {  	_ =	swait.ge [sflag:s25], $0x70  }
0x34: {  	[sflag:s25] =	ssyncset.done $0x0  }
0x35: {  	[sflag:s25] =	ssyncadd.s32 $0xFFFFFF90  }
0x36: {  	_ =	swait.ge [sflag:s26], $0x700  }
0x37: {  	[sflag:s26] =	ssyncset.done $0x0  }
0x38: {  	[sflag:s26] =	ssyncadd.s32 $0xFFFFF900  }
0x39: {  	[spmem:s1] =	stream.indirect.scatter.add.f32 [tilespmem:s22], [sflag:$0x5], $0x10, s21, s21, $0xb8;
	[tilespmem:$0x3AB8] =	vst v63  }
0x3a: {  	_ =	swait.ge [sflag:s19], $0x700  }
0x3b: {  	s30 =	sadd.s32 $0x1C, s16;
	s6 =	sadd.s32 $0x0, s15;
	[sflag:s19] =	ssyncset.done $0x0  }
0x3c: {  	s4 =	sadd.s32 $0xE0, s14;
	s0 =	simm.s32 $0x1C0;
	[sflag:s19] =	ssyncadd.s32 $0xFFFFF900  }
0x3d: {  	[tilespmem:s21], [sflag:$0x2] =	stream.linear.gather [hbm4b:s16+s2], $0x70, $0x38;
	[tilespmem:$0x3AB8] =	vst v63  }
.LBB2_2:
0x3e: {  	[tilespmem:s22], [sflag:$0x4] =	stream.linear.gather [hbm4b:s6+s2], $0x700, $0x38;
	[tilespmem:$0x3AB8] =	vst v63  }
0x3f: {  	s6 =	smov.u32 s0  }
0x40: {  	p1 =	sne.s32 s0, $0x2300;
	s0 =	sadd.s32 $0x1C0, s0;
	_ =	swait.ge [sflag:s23], $0x70  }
0x41: {  	[sflag:s23] =	ssyncset.done $0x0  }
0x42: {  	[sflag:s23] =	ssyncadd.s32 $0xFFFFFF90  }
0x43: {  	_ =	swait.ge [sflag:s24], $0x700  }
0x44: {  	[sflag:s24] =	ssyncset.done $0x0  }
0x45: {  	[sflag:s24] =	ssyncadd.s32 $0xFFFFF900  }
0x46: {  	[spmem:s1] =	stream.indirect.scatter.add.f32 [tilespmem:s20], [sflag:$0x5], $0x10, s2, s21, $0xb8;
	[tilespmem:$0x3AB8] =	vst v63  }
0x47: {  	_ =	swait.ge [sflag:s19], $0x700  }
0x48: {  	s7 =	sshrl.u32 s4, $0x3;
	[sflag:s19] =	ssyncset.done $0x0  }
0x49: {  	s7 =	sadd.s32 s3, s7;
	[sflag:s19] =	ssyncadd.s32 $0xFFFFF900  }
0x4a: {  	[tilespmem:s2], [sflag:$0x1] =	stream.linear.gather [hbm4b:s7+s2], $0x70, $0x38;
	[tilespmem:$0x3AB8] =	vst v63  }
0x4b: {  	s7 =	sadd.s32 s6, s17  }
0x4c: {  	[tilespmem:s20], [sflag:$0x3] =	stream.linear.gather [hbm4b:s7+s2], $0x700, $0x38;
	[tilespmem:$0x3AB8] =	vst v63  }
0x4d: {  	_ =	swait.ge [sflag:s25], $0x70  }
0x4e: {  	[sflag:s25] =	ssyncset.done $0x0  }
0x4f: {  	[sflag:s25] =	ssyncadd.s32 $0xFFFFFF90  }
0x50: {  	_ =	swait.ge [sflag:s26], $0x700  }
0x51: {  	[sflag:s26] =	ssyncset.done $0x0  }
0x52: {  	[sflag:s26] =	ssyncadd.s32 $0xFFFFF900  }
0x53: {  	[spmem:s1] =	stream.indirect.scatter.add.f32 [tilespmem:s22], [sflag:$0x5], $0x10, s21, s21, $0xb8;
	[tilespmem:$0x3AB8] =	vst v63  }
.Ltmp0:
0x54: {  	_ =	swait.ge [sflag:s19], $0x700;
	(pc) =	sbr.rel @p1 .LBB2_2-.Ltmp0, $4  }
0x55: {  	[sflag:s19] =	ssyncset.done $0x0  }
0x56: {  	[sflag:s19] =	ssyncadd.s32 $0xFFFFF900  }
0x57: {  	[tilespmem:s21], [sflag:$0x2] =	stream.linear.gather [hbm4b:s30+s2], $0x70, $0x38;
	[tilespmem:$0x3AB8] =	vst v63  }
0x58: {  	s4 =	sadd.s32 $0xE0, s4;
	s6 =	sadd.s32 s6, s15;
	s30 =	sadd.s32 $0x1C, s30  }
0x59: {  	[tilespmem:s22], [sflag:$0x4] =	stream.linear.gather [hbm4b:s6+s2], $0x700, $0x38;
	[tilespmem:$0x3AB8] =	vst v63  }
0x5a: {  	_ =	swait.ge [sflag:s23], $0x70  }
0x5b: {  	[sflag:s23] =	ssyncset.done $0x0  }
0x5c: {  	[sflag:s23] =	ssyncadd.s32 $0xFFFFFF90  }
0x5d: {  	_ =	swait.ge [sflag:s24], $0x700  }
0x5e: {  	[sflag:s24] =	ssyncset.done $0x0  }
0x5f: {  	[sflag:s24] =	ssyncadd.s32 $0xFFFFF900  }
0x60: {  	[spmem:s1] =	stream.indirect.scatter.add.f32 [tilespmem:s20], [sflag:$0x5], $0x10, s2, s21, $0xb8;
	[tilespmem:$0x3AB8] =	vst v63  }
0x61: {  	_ =	swait.ge [sflag:s19], $0x700  }
0x62: {  	[sflag:s19] =	ssyncset.done $0x0  }
0x63: {  	[sflag:s19] =	ssyncadd.s32 $0xFFFFF900  }
0x64: {  	_ =	swait.ge [sflag:s25], $0x70  }
0x65: {  	[sflag:s25] =	ssyncset.done $0x0  }
0x66: {  	[sflag:s25] =	ssyncadd.s32 $0xFFFFFF90  }
0x67: {  	_ =	swait.ge [sflag:s26], $0x700  }
0x68: {  	[sflag:s26] =	ssyncset.done $0x0  }
0x69: {  	[sflag:s26] =	ssyncadd.s32 $0xFFFFF900  }
0x6a: {  	[spmem:s1] =	stream.indirect.scatter.add.f32 [tilespmem:s22], [sflag:$0x5], $0x10, s21, s21, $0xb8;
	[tilespmem:$0x3AB8] =	vst v63  }
0x6b: {  	_ =	swait.ge [sflag:s19], $0x700  }
0x6c: {  	[sflag:s19] =	ssyncset.done $0x0  }
0x6d: {  	[sflag:s19] =	ssyncadd.s32 $0xFFFFF900  }
0x6e: {  	[tilespmem:s28], [sflag:$0x5] =	stream.linear.gather [hbm4b:s10+s2], $0x48, $0x38;
	[tilespmem:$0x3AB8] =	vst v63  }
0x6f: {  	_ =	swait.ge [sflag:s19], $0x48  }
0x70: {  	[sflag:s19] =	ssyncset.done $0x0  }
0x71: {  	[sflag:s19] =	ssyncadd.s32 $0xFFFFFFB8  }
0x72: {  	[tilespmem:s29], [sflag:$0x5] =	stream.linear.gather [hbm4b:s11+s2], $0x480, $0x38;
	[tilespmem:$0x3AB8] =	vst v63  }
0x73: {  	_ =	swait.ge [sflag:s19], $0x480  }
0x74: {  	[sflag:s19] =	ssyncset.done $0x0  }
0x75: {  	s0 =	simm.s32 $0x48;
	[sflag:s19] =	ssyncadd.s32 $0xFFFFFB80  }
0x76: {  	[spmem:s1] =	stream.indirect.scatter.add.f32 [tilespmem:s29], [sflag:$0x5], $0x10, s28, s0, $0xb8;
	[tilespmem:$0x3AB8] =	vst v63  }
0x77: {  	_ =	swait.ge [sflag:s19], $0x480  }
0x78: {  	[sflag:s19] =	ssyncset.done $0x0  }
0x79: {  	s31 =	sadd.s32 $0x1, s31;
	[sflag:s19] =	ssyncadd.s32 $0xFFFFFB80  }
0x7a: {  	p1 =	sne.s32 s31, s13;
	s0 =	sshrl.u32 @!p0 s1, $0x3;
	[bflag:$0x0] =	sbarrier.arrive $0xFFFF  }
0x7b: {  	[hbm:s12], [sflag:s5] =	dma.local @!p0 [spmem:s0], $0x4E20  }
.Ltmp1:
0x7c: {  	_ = 	snop;
	(pc) =	sbr.rel @p1 .LBB2_1-.Ltmp1, $4  }
0x7d: {  	s0 =	simm.s32 @!p0 $0x5  }
0x7e: {  	_ =	swait.ge @!p0 [sflag:s0], $0x4E20  }
0x7f: {  	[sflag:s0] =	ssyncset.done @!p0 $0x0  }
0x80: {  	[sflag:s0] =	ssyncadd.s32 @!p0 $0xFFFFB1E0  }
0x81: {  	_ =	sfence.sel $0x180000  }
0x82: {  	[bflag:$0x0] =	sbarrier.arrive $0xFFFF  }
0x83: {  	_ =	strace $0x9000004A  }
0x84: {  	[bflag:$0x2] =	sbarrier.arrive $0xFFFF  }
0x85: {  	s0 =	rddreg [dreg:$0x2]  }
0x86: {  	s0 =	sadd.s32 @!p0 $0x100000, s0  }
0x87: {  	[sflag:s0] =	ssyncadd.tile.s32 @!p0 $0x1;
	_ =	shalt  }
.Lfunc_end2:
_tile_overlayer_lowered:
.L_overlay_start_2:
0x88: {  	(tag) =	ssettag $0x2  }
0x89: {  	s0 =	rddreg [dreg:$0x0];
	s2 =	stileid.u32  }
0x8a: {  	s1 =	rddreg [dreg:$0x1];
	p0 =	sne.s32 s2, $0x0  }
0x8b: {  	s3 =	rddreg [dreg:$0x2];
	[bflag:$0x3] =	sbarrier.arrive $0xFFFF;
	s2 =	simm.s32 @!p0 $0x1C05  }
0x8c: {  	[timem:s3], [sflag:s2] =	dma.local @!p0 [hbm:s0], s1  }
0x8d: {  	s0 =	simm.s32 @!p0 $0x5  }
0x8e: {  	_ =	swait.ge @!p0 [sflag:s0], s1  }
0x8f: {  	s1 =	ssub.s32 @!p0 $0x0, s1;
	[sflag:s0] =	ssyncset.done @!p0 $0x0  }
0x90: {  	[sflag:s0] =	ssyncadd.s32 @!p0 s1  }
0x91: {  	[bflag:$0x3] =	sbarrier.arrive $0xFFFF  }
0x92: {  	_ =	shalt  }

// kernel: kernel.16.cloned.1.call-start
scs
__scs_entry_jumppad:
0x0: {  	(pc) =	sbr.rel $0x88, $3  }
0x1: {  	(tag) =	ssettag $0x0;
	lr =	simm.s32 $0x1  }
0x2: {  	[smem:$0x3F8D] =	sst lr;
	_ =	strace $0xD0000000  }
0x3: {  	_ = 	snop  }
0x4: {  	_ = 	snop  }
0x5: {  	_ = 	snop  }
0x6: {  	_ = 	snop  }
0x7: {  	_ = 	snop  }
__scs_overlays_trampoline_lowered:
0x8: {  	[smem:$0x3F9C] =	sst s0  }
0x9: {  	[smem:$0x3F9D] =	sst s1  }
0xa: {  	[smem:$0x3F9E] =	sst s2  }
0xb: {  	[smem:$0x3F9F] =	sst s3  }
0xc: {  	[smem:$0x3FA0] =	sst s4  }
0xd: {  	[smem:$0x3FA1] =	sst s5  }
0xe: {  	[smem:$0x3FA2] =	sst s6  }
0xf: {  	[smem:$0x3FA3] =	sst s7  }
0x10: {  	[smem:$0x3FA4] =	sst s8  }
0x11: {  	[smem:$0x3FA5] =	sst s9;
	s0 =	simm.s32 @!p0 $0x0  }
0x12: {  	s1 =	sld [smem:$0x3F8B];
	s0 =	simm.s32 @p0 $0x1  }
0x13: {  	[smem:$0x3FA6] =	sst s0;
	s0 =	simm.s32 @!p1 $0x0  }
0x14: {  	s2 =	sld [smem:$0x3F8A];
	s0 =	simm.s32 @p1 $0x1  }
0x15: {  	[smem:$0x3FA7] =	sst s0;
	s0 =	simm.s32 @!p2 $0x0  }
0x16: {  	s3 =	sld [smem:$0x3FDB];
	s0 =	simm.s32 @p2 $0x1  }
0x17: {  	s4 =	simm.s32 $0x1BF5;
	[smem:$0x3FA9] =	sst s0  }
0x18: {  	s0 =	sld [smem:$0x3F8C];
	_ =	swait.ge [sflag:s4], $0x0  }
0x19: {  	s7 =	sld [smem:$0x3F8D]  }
0x1a: {  	s8 =	sadd.s32 $0xFFFFE003, lr  }
0x1b: {  	s9 =	sadd.s32 $0xFFFFFEF7, lr;
	s5 =	simm.s32 $0xFFFFFFFF;
	p2 =	slt.u32 s8, $0xFFFFF086  }
0x1c: {  	p1 =	slt.u32 s9, $0xF7A;
	s5 =	simm.s32 @!p2 $0x0  }
0x1d: {  	s5 =	simm.s32 @p1 $0x1;
	p0 =	seq.s32 s7, s2  }
0x1e: {  	s7 =	smul.u32 @!p0 $0xF7A, s2;
	p2 =	seq.s32 @!p0 s5, $0x0  }
0x1f: {  	s9 =	smul.u32 $0xF7A, s1;
	s8 =	simm.s32 @!p0 $0x1BF5;
	p2 =	por !p2, p0  }
0x20: {  	[sflag:s8] =	ssyncset.s32 @!p0 $0xFFFFF086;
	s6 =	sadd.s32 @!p0 s3, s7;
	s7 =	simm.s32 @!p0 $0x108  }
0x21: {  	s3 =	sadd.s32 s3, s9;
	s6 =	sadd.s32 @!p0 $0x88, s6;
	s7 =	simm.s32 @p2 $0x1082  }
0x22: {  	[simem:s7], [sflag:s8] =	dma.local @!p0 [hbm:s6], $0xF7A  }
0x23: {  	s9 =	sor.u32 $0xD0000000, s2;
	s6 =	simm.s32 $0x108;
	_ =	swait.ge @!p0 [sflag:s8], $0x0  }
0x24: {  	s3 =	sadd.s32 $0x88, s3;
	s6 =	simm.s32 @!p1 $0x1082;
	[sflag:s4] =	ssyncset.s32 $0xFFFFF086  }
0x25: {  	[simem:s6], [sflag:s4] =	dma.local [hbm:s3], $0xF7A  }
0x26: {  	[smem:$0x3F8D] =	sst s1;
	(tag) =	ssettag s2;
	_ =	strace s9  }
0x27: {  	s1 =	sld [smem:$0x3F9D]  }
0x28: {  	s2 =	sld [smem:$0x3F9E]  }
0x29: {  	s4 =	sld [smem:$0x3FA0]  }
0x2a: {  	p0 =	seq.s32 s5, $0x0;
	s5 =	sld [smem:$0x3FA1]  }
0x2b: {  	s6 =	sld [smem:$0x3FA2]  }
0x2c: {  	s7 =	sld [smem:$0x3FA3]  }
0x2d: {  	s3 =	simm.s32 $0x108;
	s8 =	sld [smem:$0x3FA4]  }
0x2e: {  	s3 =	simm.s32 @!p0 $0x1082;
	s9 =	sld [smem:$0x3FA5]  }
0x2f: {  	lr =	sadd.s32 s0, s3;
	s0 =	sld [smem:$0x3F9C]  }
0x30: {  	s3 =	sld [smem:$0x3F9F]  }
0x31: {  	[smem:$0x3FA8] =	sst s10  }
0x32: {  	s10 =	sld [smem:$0x3FA6];
	_ =	sdelay $0x3  }
0x33: {  	p0 =	seq.s32 s10, $0x1;
	s10 =	sld [smem:$0x3FA8];
	_ =	sdelay $0x3  }
0x34: {  	[smem:$0x3FA8] =	sst s10  }
0x35: {  	s10 =	sld [smem:$0x3FA7];
	_ =	sdelay $0x3  }
0x36: {  	p1 =	seq.s32 s10, $0x1;
	s10 =	sld [smem:$0x3FA8];
	_ =	sdelay $0x3  }
0x37: {  	[smem:$0x3FA8] =	sst s10  }
0x38: {  	s10 =	sld [smem:$0x3FA9]  }
0x39: {  	_ = 	snop;
	(pc) =	sbr.ind lr, $3  }
0x3a: {  	_ = 	snop  }
0x3b: {  	_ = 	snop  }
0x3c: {  	p2 =	seq.s32 s10, $0x1;
	s10 =	sld [smem:$0x3FA8]  }
0x3d: {  	_ =	shalt  }
0x3e: {  	_ =	shalt  }
0x3f: {  	_ =	shalt  }
0x40: {  	_ =	shalt  }
0x41: {  	_ =	shalt  }
0x42: {  	_ =	shalt  }
0x43: {  	_ =	shalt  }
0x44: {  	_ =	shalt  }
0x45: {  	_ =	shalt  }
0x46: {  	_ =	shalt  }
0x47: {  	_ =	shalt  }
0x48: {  	_ =	shalt  }
0x49: {  	_ =	shalt  }
0x4a: {  	_ =	shalt  }
0x4b: {  	_ =	shalt  }
0x4c: {  	_ =	shalt  }
0x4d: {  	_ =	shalt  }
0x4e: {  	_ =	shalt  }
0x4f: {  	_ =	shalt  }
0x50: {  	_ =	shalt  }
0x51: {  	_ =	shalt  }
0x52: {  	_ =	shalt  }
0x53: {  	_ =	shalt  }
0x54: {  	_ =	shalt  }
0x55: {  	_ =	shalt  }
0x56: {  	_ =	shalt  }
0x57: {  	_ =	shalt  }
0x58: {  	_ =	shalt  }
0x59: {  	_ =	shalt  }
0x5a: {  	_ =	shalt  }
0x5b: {  	_ =	shalt  }
0x5c: {  	_ =	shalt  }
0x5d: {  	_ =	shalt  }
0x5e: {  	_ =	shalt  }
0x5f: {  	_ =	shalt  }
0x60: {  	_ =	shalt  }
0x61: {  	_ =	shalt  }
0x62: {  	_ =	shalt  }
0x63: {  	_ =	shalt  }
0x64: {  	_ =	shalt  }
0x65: {  	_ =	shalt  }
0x66: {  	_ =	shalt  }
0x67: {  	_ =	shalt  }
0x68: {  	_ =	shalt  }
0x69: {  	_ =	shalt  }
0x6a: {  	_ =	shalt  }
0x6b: {  	_ =	shalt  }
0x6c: {  	_ =	shalt  }
0x6d: {  	_ =	shalt  }
0x6e: {  	_ =	shalt  }
0x6f: {  	_ =	shalt  }
0x70: {  	_ =	shalt  }
0x71: {  	_ =	shalt  }
0x72: {  	_ =	shalt  }
0x73: {  	_ =	shalt  }
0x74: {  	_ =	shalt  }
0x75: {  	_ =	shalt  }
0x76: {  	_ =	shalt  }
0x77: {  	_ =	shalt  }
0x78: {  	_ =	shalt  }
0x79: {  	_ =	shalt  }
0x7a: {  	_ =	shalt  }
0x7b: {  	_ =	shalt  }
0x7c: {  	_ =	shalt  }
0x7d: {  	_ =	shalt  }
0x7e: {  	_ =	shalt  }
0x7f: {  	_ =	shalt  }
0x80: {  	_ =	shalt  }
0x81: {  	_ =	shalt  }
0x82: {  	_ =	shalt  }
0x83: {  	_ =	shalt  }
0x84: {  	_ =	shalt  }
0x85: {  	_ =	shalt  }
0x86: {  	_ =	shalt  }
0x87: {  	_ =	shalt  }
.Lfunc_end0:
.L_simem_size_0:
called_computation.2_lowered:
.L_overlay_start_0:
0x88: {  	s2 =	sld [smem:$0x3FD9]  }
0x89: {  	s3 =	sld [smem:$0x3FFE];
	_ =	sdelay $0x1  }
0x8a: {  	s1 =	srdreg.scid  }
0x8b: {  	s0 =	sand.u32 $0x1, s1  }
0x8c: {  	s16 =	sshll.u32 s0, $0xA;
	s2 =	sadd.s32 s3, s2  }
0x8d: {  	s2 =	sadd.s32 s2, s16  }
0x8e: {  	[smem:$0x3FB4] =	sst s2  }
0x8f: {  	_ = 	snop  }
0x90: {  	(tm) =	ssettm $0x1  }
0x91: {  	s17 =	sld [smem:$0x3FFB];
	_ =	sdelay $0x3  }
0x92: {  	_ =	strace s17  }
0x93: {  	s2 =	sld [smem:$0x3FFC];
	_ =	sdelay $0x3  }
0x94: {  	_ =	strace s2  }
0x95: {  	s2 =	sld [smem:$0x3FFD];
	_ =	sdelay $0x3  }
0x96: {  	_ =	strace s2  }
0x97: {  	_ =	strace $0x8FFFFFFF  }
0x98: {  	s18 =	sld [smem:$0x3FDB];
	_ =	sdelay $0x1  }
0x99: {  	s19 =	simm.s32 $_scs_section_size  }
0x9a: {  	s4 =	simm.s32 $_size__tile_overlayer_lowered;
	s5 =	simm.s32 $_tile_overlayer_lowered  }
0x9b: {  	s22 =	simm.s32 $0x1BFF;
	s21 =	sshll.u32 s5, $0x1;
	s2 =	sadd.s32 s19, s18  }
0x9c: {  	s6 =	simm.s32 $0x0;
	s20 =	sshll.u32 s4, $0x1;
	s4 =	sadd.s32 s21, s2  }
0x9d: {  	[timem:s6], [sflag:s22] =	dma.local [hbm:s4], s20  }
0x9e: {  	_ =	swait.ge [sflag:s22], s20  }
0x9f: {  	s3 =	ssub.s32 $0x0, s20;
	[sflag:s22] =	ssyncset.done $0x0  }
0xa0: {  	[sflag:s22] =	ssyncadd.s32 s3;
	_ =	sdelay $0x1  }
0xa1: {  	s23 =	simm.s32 $0x1B8B  }
0xa2: {  	_ =	swait.ge [sflag:s23], $0x1  }
0xa3: {  	[sflag:s23] =	ssyncset.done $0x0  }
0xa4: {  	s25 =	simm.s32 $0x1B8E;
	s24 =	sld [smem:$0x3FFE];
	[sflag:s23] =	ssyncadd.s32 $0xFFFFFFFF  }
0xa5: {  	s26 =	simm.s32 $execute0_lowered;
	[smem:$0x3FD2] =	sst s25  }
0xa6: {  	s4 =	sshll.u32 s26, $0x1;
	_ =	strace $0x8000004C;
	[dreg:$0x1] =	wrdreg $0xFFFFFFFF  }
0xa7: {  	s28 =	simm.s32 $_size_execute0_lowered;
	s2 =	sadd.s32 s2, s4;
	[dreg:$0x0] =	wrdreg $0x0  }
0xa8: {  	s4 =	sshll.u32 s28, $0x1;
	[dreg:$0x2] =	wrdreg s2  }
0xa9: {  	[dreg:$0x3] =	wrdreg s4  }
0xaa: {  	[dreg:$0x4] =	wrdreg $0xC0  }
0xab: {  	_ =	task [dreg:s6], $0x5FFFF  }
0xac: {  	[dreg:$0x1] =	wrdreg $0xFFFFFFFF  }
0xad: {  	[dreg:$0x0] =	wrdreg $0x60  }
0xae: {  	[dreg:$0x2] =	wrdreg s24  }
0xaf: {  	[dreg:$0x3] =	wrdreg $0x9  }
0xb0: {  	_ =	task.clear_ibuf [dreg:s6], $0x4FFFF;
	_ =	strace $0x9000004C  }
0xb1: {  	s29 =	simm.s32 $0x9;
	_ =	strace $0x8000004E  }
0xb2: {  	_ =	swait.ge [sflag:s29], $0x1  }
0xb3: {  	[sflag:s29] =	ssyncadd.s32 $0xFFFFFFFF  }
0xb4: {  	_ =	strace $0x9000004E  }
0xb5: {  	_ =	sfence  }
0xb6: {  	s30 =	sld [smem:$0x0];
	_ =	sdelay $0x2  }
0xb7: {  	s31 =	sshll.u32 s1, $0xD;
	s1 =	sshrl.u32 s1, $0x2  }
0xb8: {  	s3 =	sand.u32 $0x4000, s31;
	s1 =	sadd.s32 s1, s30  }
0xb9: {  	s0 =	sor.u32 s3, s0;
	s1 =	sshll.u32 s1, $0x11  }
0xba: {  	s0 =	sor.u32 s1, s0  }
0xbb: {  	s0 =	sadd.s32 $0x8F2B, s0  }
0xbc: {  	[sflag:s0] =	ssyncadd.remote.s32 $0x1  }
0xbd: {  	_ =	sfence.sel $0xFFFF  }
0xbe: {  	[dreg:$0x0] =	wrdreg $0xFFFFFFFF;
	(pc) =	sbr.abs _section_cstart, $3  }
0xbf: {  	[dreg:$0x1] =	wrdreg $0xFFFFFFFF  }
0xc0: {  	_ =	task.clear_ibuf [dreg:s6], $0x2FFFF;
	_ =	strace $0x9FFFFFFF  }
0xc1: {  	(tm) =	ssettm $0x7FFFFFFF  }
tec
execute0_lowered:
.L_overlay_start_1:
0x0: {  	(tag) =	ssettag $0x1  }
0x1: {  	s0 =	rddreg [dreg:$0x0]  }
0x2: {  	s1 =	srdreg.scid;
	s16 =	stileid.u32  }
0x3: {  	s2 =	simm.s32 $0x0;
	s19 =	simm.s32 $0xE0;
	s28 =	simm.s32 $0x7  }
0x4: {  	s30 =	simm.s32 $0xF28;
	s31 =	simm.s32 $0x0;
	s11 =	smul.u32 $0x2710, s16  }
0x5: {  	s1 =	sand.u32 $0x1, s1;
	s3 =	sshll.u32 s16, $0x1;
	s16 =	smul.u32 $0x4E20, s16  }
0x6: {  	[smem:$0x7FF] =	sst s2;
	s14 =	sadd.s32 $0x3600, s0;
	s12 =	smul.u32 $0x1388, s1  }
0x7: {  	s7 =	sor.u32 s1, s3;
	_ =	strace $0x8000004D;
	s18 =	smul.u32 $0x2710, s1  }
0x8: {  	s3 =	sadd.s32 $0xD600, s0;
	s4 =	ssub.s32 $0x2, s1;
	s5 =	smul.u32 $0x1388, s7  }
0x9: {  	s0 =	sadd.s32 $0x5BE00, s0;
	s6 =	sshrl.u32 s4, $0x1;
	s13 =	smul.u32 $0x2710, s7  }
0xa: {  	s9 =	ssub.s32 s4, s6;
	s15 =	sadd.s32 s12, s11;
	s8 =	sshrl.u32 s5, $0x3  }
0xb: {  	s10 =	sadd.s32 $0x70, s5;
	s21 =	sadd.s32 $0x1340, s5;
	s12 =	sadd.s32 $0x230, s15  }
0xc: {  	s17 =	sshll.u32 s15, $0x1;
	s15 =	sadd.s32 $0x1C0, s15;
	s4 =	sadd.s32 s14, s8  }
0xd: {  	s20 =	sshrl.u32 s10, $0x3;
	s23 =	sshrl.u32 s21, $0x3;
	s8 =	sshll.u32 s21, $0x1  }
0xe: {  	s25 =	sshll.u32 s10, $0x1;
	s26 =	sshrl.u32 s12, $0x3;
	s29 =	sadd.s32 s0, s17  }
0xf: {  	s15 =	sshrl.u32 s15, $0x3;
	s17 =	simm.s32 $0x70;
	s21 =	simm.s32 $0x2  }
0x10: {  	s22 =	sadd.s32 s14, s20;
	s24 =	sadd.s32 s14, s23;
	s7 =	sadd.s32 s0, s8  }
0x11: {  	s8 =	smax.u32 s9, $0x1;
	s9 =	sadd.s32 s0, s13;
	s10 =	sadd.s32 $0x1C, s4  }
0x12: {  	s11 =	sadd.s32 s0, s25;
	s12 =	sadd.s32 $0x2A, s4;
	s13 =	sadd.s32 s26, s14  }
.Ltmp0:
0x13: {  	s0 =	sadd.s32 s16, s0;
	s1 =	sadd.s32 $0x2A0, s29;
	(pc) =	sbr.rel .LBB2_1-.Ltmp0, $4  }
0x14: {  	s15 =	sadd.s32 s15, s14;
	s20 =	simm.s32 $0x3;
	s23 =	simm.s32 $0x4  }
0x15: {  	s25 =	simm.s32 $0x6;
	s26 =	simm.s32 $0xEE0;
	[dreg:$0x2] =	wrdreg s22  }
0x16: {  	[dreg:$0x3] =	wrdreg s24;
	s0 =	sadd.s32 s18, s0;
	s18 =	simm.s32 $0x1  }
0x17: {  	s22 =	simm.s32 $0x7E0;
	s24 =	simm.s32 $0x5;
	s0 =	sadd.s32 $0x1C0, s0  }
.LBB2_4:
0x18: {  	_ =	swait.ge [sflag:s24], $0x700  }
0x19: {  	[sflag:s24] =	ssyncset.done $0x0  }
0x1a: {  	[sflag:s24] =	ssyncadd.s32 $0xFFFFF900  }
0x1b: {  	_ =	swait.ge [sflag:s25], $0x700  }
0x1c: {  	[sflag:s25] =	ssyncset.done $0x0  }
0x1d: {  	s5 =	rddreg [dreg:$0x3];
	[sflag:s25] =	ssyncadd.s32 $0xFFFFF900  }
0x1e: {  	[tilespmem:s26], [sflag:$0x7] =	stream.linear.gather [hbm4b:s5+s2], $0x48, $0x38;
	[tilespmem:$0x13A8] =	vst v63  }
0x1f: {  	_ =	swait.ge [sflag:s28], $0x48  }
0x20: {  	[sflag:s28] =	ssyncset.done $0x0  }
0x21: {  	s29 =	simm.s32 $0x48;
	[sflag:s28] =	ssyncadd.s32 $0xFFFFFFB8  }
0x22: {  	[tilespmem:s30], [sflag:$0x3] =	stream.indirect.gather [hbm4b:s3+s29], $0x10, s26, s29, $0xb8;
	[tilespmem:$0x13A8] =	vst v63  }
0x23: {  	s31 =	sadd.s32 $0x1, s31;
	_ =	swait.ge [sflag:s20], $0x480  }
0x24: {  	p0 =	sne.s32 s31, s8;
	[sflag:s20] =	ssyncset.done $0x0  }
.Ltmp1:
0x25: {  	[sflag:s20] =	ssyncadd.s32 $0xFFFFFB80;
	(pc) =	sbr.rel @!p0 .LBB2_5-.Ltmp1, $4  }
0x26: {  	[hbm4b:s7+s2] =	stream.linear.scatter [tilespmem:s30], [sflag:$0x7], $0x480, $0x38;
	[tilespmem:$0x13A8] =	vst v63  }
0x27: {  	_ =	swait.ge [sflag:s28], $0x480  }
0x28: {  	[sflag:s28] =	ssyncset.done $0x0  }
0x29: {  	[sflag:s28] =	ssyncadd.s32 $0xFFFFFB80  }
.LBB2_1:
0x2a: {  	[tilespmem:s2], [sflag:$0x1] =	stream.linear.gather [hbm4b:s4+s2], $0x70, $0x38;
	[tilespmem:$0x13A8] =	vst v63  }
0x2b: {  	s5 =	rddreg [dreg:$0x2]  }
0x2c: {  	[tilespmem:s17], [sflag:$0x2] =	stream.linear.gather [hbm4b:s5+s2], $0x70, $0x38;
	[tilespmem:$0x13A8] =	vst v63  }
0x2d: {  	_ =	swait.ge [sflag:s18], $0x70  }
0x2e: {  	[sflag:s18] =	ssyncset.done $0x0  }
0x2f: {  	[sflag:s18] =	ssyncadd.s32 $0xFFFFFF90  }
0x30: {  	[tilespmem:s19], [sflag:$0x3] =	stream.indirect.gather [hbm4b:s3+s17], $0x10, s2, s17, $0xb8;
	[tilespmem:$0x13A8] =	vst v63  }
0x31: {  	_ =	swait.ge [sflag:s20], $0x700  }
0x32: {  	[sflag:s20] =	ssyncset.done $0x0  }
0x33: {  	[sflag:s20] =	ssyncadd.s32 $0xFFFFF900  }
0x34: {  	[hbm4b:s9+s2] =	stream.linear.scatter [tilespmem:s19], [sflag:$0x5], $0x700, $0x38;
	[tilespmem:$0x13A8] =	vst v63  }
0x35: {  	_ = 	snop  }
0x36: {  	[tilespmem:s2], [sflag:$0x1] =	stream.linear.gather [hbm4b:s10+s2], $0x70, $0x38;
	[tilespmem:$0x13A8] =	vst v63  }
0x37: {  	_ =	swait.ge [sflag:s21], $0x70  }
0x38: {  	[sflag:s21] =	ssyncset.done $0x0  }
0x39: {  	[sflag:s21] =	ssyncadd.s32 $0xFFFFFF90  }
0x3a: {  	[tilespmem:s22], [sflag:$0x4] =	stream.indirect.gather [hbm4b:s3+s17], $0x10, s17, s17, $0xb8;
	[tilespmem:$0x13A8] =	vst v63  }
0x3b: {  	_ =	swait.ge [sflag:s23], $0x700  }
0x3c: {  	[sflag:s23] =	ssyncset.done $0x0  }
0x3d: {  	[sflag:s23] =	ssyncadd.s32 $0xFFFFF900  }
0x3e: {  	[hbm4b:s11+s2] =	stream.linear.scatter [tilespmem:s22], [sflag:$0x6], $0x700, $0x38;
	[tilespmem:$0x13A8] =	vst v63  }
0x3f: {  	s16 =	smov.u32 s0;
	s14 =	smov.u32 s1;
	s29 =	simm.s32 $0x0  }
0x40: {  	[tilespmem:s17], [sflag:$0x2] =	stream.linear.gather [hbm4b:s12+s2], $0x70, $0x38;
	[tilespmem:$0x13A8] =	vst v63  }
.LBB2_2:
0x41: {  	_ =	swait.ge [sflag:s18], $0x70  }
0x42: {  	[sflag:s18] =	ssyncset.done $0x0  }
0x43: {  	[sflag:s18] =	ssyncadd.s32 $0xFFFFFF90  }
0x44: {  	_ =	swait.ge [sflag:s24], $0x700  }
0x45: {  	[sflag:s24] =	ssyncset.done $0x0  }
0x46: {  	[sflag:s24] =	ssyncadd.s32 $0xFFFFF900  }
0x47: {  	[tilespmem:s19], [sflag:$0x3] =	stream.indirect.gather [hbm4b:s3+s17], $0x10, s2, s17, $0xb8;
	[tilespmem:$0x13A8] =	vst v63  }
0x48: {  	_ =	swait.ge [sflag:s20], $0x700  }
0x49: {  	[sflag:s20] =	ssyncset.done $0x0  }
0x4a: {  	p0 =	seq.s32 s29, $0x230;
	[sflag:s20] =	ssyncadd.s32 $0xFFFFF900  }
0x4b: {  	[hbm4b:s16+s2] =	stream.linear.scatter [tilespmem:s19], [sflag:$0x5], $0x700, $0x38;
	[tilespmem:$0x13A8] =	vst v63  }
0x4c: {  	s5 =	sadd.s32 @!p0 s29, s15;
	s6 =	simm.s32 @!p0 $0x0  }
0x4d: {  	[tilespmem:s6], [sflag:$0x1] =	stream.linear.gather @!p0 [hbm4b:s5+s6], $0x70, $0x38;
	[tilespmem:$0x13A8] =	vst v63  }
0x4e: {  	_ =	swait.ge [sflag:s21], $0x70  }
0x4f: {  	[sflag:s21] =	ssyncset.done $0x0  }
0x50: {  	[sflag:s21] =	ssyncadd.s32 $0xFFFFFF90  }
0x51: {  	_ =	swait.ge [sflag:s25], $0x700  }
0x52: {  	[sflag:s25] =	ssyncset.done $0x0  }
0x53: {  	[sflag:s25] =	ssyncadd.s32 $0xFFFFF900  }
0x54: {  	[tilespmem:s22], [sflag:$0x4] =	stream.indirect.gather [hbm4b:s3+s17], $0x10, s17, s17, $0xb8;
	[tilespmem:$0x13A8] =	vst v63  }
.Ltmp2:
0x55: {  	_ = 	snop;
	(pc) =	sbr.rel @p0 .LBB2_4-.Ltmp2, $4  }
0x56: {  	_ =	swait.ge [sflag:s23], $0x700  }
0x57: {  	[sflag:s23] =	ssyncset.done $0x0  }
0x58: {  	[sflag:s23] =	ssyncadd.s32 $0xFFFFF900  }
0x59: {  	[hbm4b:s14+s2] =	stream.linear.scatter [tilespmem:s22], [sflag:$0x6], $0x700, $0x38;
	[tilespmem:$0x13A8] =	vst v63  }
.Ltmp3:
0x5a: {  	(pc) =	sbr.rel .LBB2_2-.Ltmp3, $4  }
0x5b: {  	_ = 	snop  }
0x5c: {  	s5 =	sadd.s32 s29, s13  }
0x5d: {  	s29 =	sadd.s32 $0x1C, s29;
	s14 =	sadd.s32 $0x1C0, s14;
	s16 =	sadd.s32 $0x1C0, s16  }
0x5e: {  	[tilespmem:s17], [sflag:$0x2] =	stream.linear.gather [hbm4b:s5+s2], $0x70, $0x38;
	[tilespmem:$0x13A8] =	vst v63  }
.LBB2_5:
0x5f: {  	_ =	sfence.sel $0x180000  }
0x60: {  	[bflag:$0x0] =	sbarrier.arrive $0xFFFF  }
0x61: {  	_ =	strace $0x9000004D  }
0x62: {  	s0 =	stileid.u32;
	[bflag:$0x2] =	sbarrier.arrive $0xFFFF  }
0x63: {  	p0 =	sne.s32 s0, $0x0;
	s0 =	rddreg [dreg:$0x1]  }
0x64: {  	s0 =	sadd.s32 @!p0 $0x100000, s0  }
0x65: {  	[sflag:s0] =	ssyncadd.tile.s32 @!p0 $0x1;
	_ =	shalt  }
.Lfunc_end2:
_tile_overlayer_lowered:
.L_overlay_start_2:
0x66: {  	(tag) =	ssettag $0x2  }
0x67: {  	s0 =	rddreg [dreg:$0x0];
	s2 =	stileid.u32  }
0x68: {  	s1 =	rddreg [dreg:$0x1];
	p0 =	sne.s32 s2, $0x0  }
0x69: {  	s3 =	rddreg [dreg:$0x2];
	[bflag:$0x3] =	sbarrier.arrive $0xFFFF;
	s2 =	simm.s32 @!p0 $0x1C07  }
0x6a: {  	[timem:s3], [sflag:s2] =	dma.local @!p0 [hbm:s0], s1  }
0x6b: {  	s0 =	simm.s32 @!p0 $0x7  }
0x6c: {  	_ =	swait.ge @!p0 [sflag:s0], s1  }
0x6d: {  	s1 =	ssub.s32 @!p0 $0x0, s1;
	[sflag:s0] =	ssyncset.done @!p0 $0x0  }
0x6e: {  	[sflag:s0] =	ssyncadd.s32 @!p0 s1  }
0x6f: {  	[bflag:$0x3] =	sbarrier.arrive $0xFFFF  }
0x70: {  	_ =	shalt  }

// kernel: kernel.19.cloned.1.call-start
scs
__scs_entry_jumppad:
0x0: {  	(pc) =	sbr.rel $0x88, $3  }
0x1: {  	(tag) =	ssettag $0x0;
	lr =	simm.s32 $0x1  }
0x2: {  	[smem:$0x3F8D] =	sst lr;
	_ =	strace $0xD0000000  }
0x3: {  	_ = 	snop  }
0x4: {  	_ = 	snop  }
0x5: {  	_ = 	snop  }
0x6: {  	_ = 	snop  }
0x7: {  	_ = 	snop  }
__scs_overlays_trampoline_lowered:
0x8: {  	[smem:$0x3F9C] =	sst s0  }
0x9: {  	[smem:$0x3F9D] =	sst s1  }
0xa: {  	[smem:$0x3F9E] =	sst s2  }
0xb: {  	[smem:$0x3F9F] =	sst s3  }
0xc: {  	[smem:$0x3FA0] =	sst s4  }
0xd: {  	[smem:$0x3FA1] =	sst s5  }
0xe: {  	[smem:$0x3FA2] =	sst s6  }
0xf: {  	[smem:$0x3FA3] =	sst s7  }
0x10: {  	[smem:$0x3FA4] =	sst s8  }
0x11: {  	[smem:$0x3FA5] =	sst s9;
	s0 =	simm.s32 @!p0 $0x0  }
0x12: {  	s1 =	sld [smem:$0x3F8B];
	s0 =	simm.s32 @p0 $0x1  }
0x13: {  	[smem:$0x3FA6] =	sst s0;
	s0 =	simm.s32 @!p1 $0x0  }
0x14: {  	s2 =	sld [smem:$0x3F8A];
	s0 =	simm.s32 @p1 $0x1  }
0x15: {  	[smem:$0x3FA7] =	sst s0;
	s0 =	simm.s32 @!p2 $0x0  }
0x16: {  	s3 =	sld [smem:$0x3FDB];
	s0 =	simm.s32 @p2 $0x1  }
0x17: {  	s4 =	simm.s32 $0x1BF5;
	[smem:$0x3FA9] =	sst s0  }
0x18: {  	s0 =	sld [smem:$0x3F8C];
	_ =	swait.ge [sflag:s4], $0x0  }
0x19: {  	s7 =	sld [smem:$0x3F8D]  }
0x1a: {  	s8 =	sadd.s32 $0xFFFFE003, lr  }
0x1b: {  	s9 =	sadd.s32 $0xFFFFFEF7, lr;
	s5 =	simm.s32 $0xFFFFFFFF;
	p2 =	slt.u32 s8, $0xFFFFF086  }
0x1c: {  	p1 =	slt.u32 s9, $0xF7A;
	s5 =	simm.s32 @!p2 $0x0  }
0x1d: {  	s5 =	simm.s32 @p1 $0x1;
	p0 =	seq.s32 s7, s2  }
0x1e: {  	s7 =	smul.u32 @!p0 $0xF7A, s2;
	p2 =	seq.s32 @!p0 s5, $0x0  }
0x1f: {  	s9 =	smul.u32 $0xF7A, s1;
	s8 =	simm.s32 @!p0 $0x1BF5;
	p2 =	por !p2, p0  }
0x20: {  	[sflag:s8] =	ssyncset.s32 @!p0 $0xFFFFF086;
	s6 =	sadd.s32 @!p0 s3, s7;
	s7 =	simm.s32 @!p0 $0x108  }
0x21: {  	s3 =	sadd.s32 s3, s9;
	s6 =	sadd.s32 @!p0 $0x88, s6;
	s7 =	simm.s32 @p2 $0x1082  }
0x22: {  	[simem:s7], [sflag:s8] =	dma.local @!p0 [hbm:s6], $0xF7A  }
0x23: {  	s9 =	sor.u32 $0xD0000000, s2;
	s6 =	simm.s32 $0x108;
	_ =	swait.ge @!p0 [sflag:s8], $0x0  }
0x24: {  	s3 =	sadd.s32 $0x88, s3;
	s6 =	simm.s32 @!p1 $0x1082;
	[sflag:s4] =	ssyncset.s32 $0xFFFFF086  }
0x25: {  	[simem:s6], [sflag:s4] =	dma.local [hbm:s3], $0xF7A  }
0x26: {  	[smem:$0x3F8D] =	sst s1;
	(tag) =	ssettag s2;
	_ =	strace s9  }
0x27: {  	s1 =	sld [smem:$0x3F9D]  }
0x28: {  	s2 =	sld [smem:$0x3F9E]  }
0x29: {  	s4 =	sld [smem:$0x3FA0]  }
0x2a: {  	p0 =	seq.s32 s5, $0x0;
	s5 =	sld [smem:$0x3FA1]  }
0x2b: {  	s6 =	sld [smem:$0x3FA2]  }
0x2c: {  	s7 =	sld [smem:$0x3FA3]  }
0x2d: {  	s3 =	simm.s32 $0x108;
	s8 =	sld [smem:$0x3FA4]  }
0x2e: {  	s3 =	simm.s32 @!p0 $0x1082;
	s9 =	sld [smem:$0x3FA5]  }
0x2f: {  	lr =	sadd.s32 s0, s3;
	s0 =	sld [smem:$0x3F9C]  }
0x30: {  	s3 =	sld [smem:$0x3F9F]  }
0x31: {  	[smem:$0x3FA8] =	sst s10  }
0x32: {  	s10 =	sld [smem:$0x3FA6];
	_ =	sdelay $0x3  }
0x33: {  	p0 =	seq.s32 s10, $0x1;
	s10 =	sld [smem:$0x3FA8];
	_ =	sdelay $0x3  }
0x34: {  	[smem:$0x3FA8] =	sst s10  }
0x35: {  	s10 =	sld [smem:$0x3FA7];
	_ =	sdelay $0x3  }
0x36: {  	p1 =	seq.s32 s10, $0x1;
	s10 =	sld [smem:$0x3FA8];
	_ =	sdelay $0x3  }
0x37: {  	[smem:$0x3FA8] =	sst s10  }
0x38: {  	s10 =	sld [smem:$0x3FA9]  }
0x39: {  	_ = 	snop;
	(pc) =	sbr.ind lr, $3  }
0x3a: {  	_ = 	snop  }
0x3b: {  	_ = 	snop  }
0x3c: {  	p2 =	seq.s32 s10, $0x1;
	s10 =	sld [smem:$0x3FA8]  }
0x3d: {  	_ =	shalt  }
0x3e: {  	_ =	shalt  }
0x3f: {  	_ =	shalt  }
0x40: {  	_ =	shalt  }
0x41: {  	_ =	shalt  }
0x42: {  	_ =	shalt  }
0x43: {  	_ =	shalt  }
0x44: {  	_ =	shalt  }
0x45: {  	_ =	shalt  }
0x46: {  	_ =	shalt  }
0x47: {  	_ =	shalt  }
0x48: {  	_ =	shalt  }
0x49: {  	_ =	shalt  }
0x4a: {  	_ =	shalt  }
0x4b: {  	_ =	shalt  }
0x4c: {  	_ =	shalt  }
0x4d: {  	_ =	shalt  }
0x4e: {  	_ =	shalt  }
0x4f: {  	_ =	shalt  }
0x50: {  	_ =	shalt  }
0x51: {  	_ =	shalt  }
0x52: {  	_ =	shalt  }
0x53: {  	_ =	shalt  }
0x54: {  	_ =	shalt  }
0x55: {  	_ =	shalt  }
0x56: {  	_ =	shalt  }
0x57: {  	_ =	shalt  }
0x58: {  	_ =	shalt  }
0x59: {  	_ =	shalt  }
0x5a: {  	_ =	shalt  }
0x5b: {  	_ =	shalt  }
0x5c: {  	_ =	shalt  }
0x5d: {  	_ =	shalt  }
0x5e: {  	_ =	shalt  }
0x5f: {  	_ =	shalt  }
0x60: {  	_ =	shalt  }
0x61: {  	_ =	shalt  }
0x62: {  	_ =	shalt  }
0x63: {  	_ =	shalt  }
0x64: {  	_ =	shalt  }
0x65: {  	_ =	shalt  }
0x66: {  	_ =	shalt  }
0x67: {  	_ =	shalt  }
0x68: {  	_ =	shalt  }
0x69: {  	_ =	shalt  }
0x6a: {  	_ =	shalt  }
0x6b: {  	_ =	shalt  }
0x6c: {  	_ =	shalt  }
0x6d: {  	_ =	shalt  }
0x6e: {  	_ =	shalt  }
0x6f: {  	_ =	shalt  }
0x70: {  	_ =	shalt  }
0x71: {  	_ =	shalt  }
0x72: {  	_ =	shalt  }
0x73: {  	_ =	shalt  }
0x74: {  	_ =	shalt  }
0x75: {  	_ =	shalt  }
0x76: {  	_ =	shalt  }
0x77: {  	_ =	shalt  }
0x78: {  	_ =	shalt  }
0x79: {  	_ =	shalt  }
0x7a: {  	_ =	shalt  }
0x7b: {  	_ =	shalt  }
0x7c: {  	_ =	shalt  }
0x7d: {  	_ =	shalt  }
0x7e: {  	_ =	shalt  }
0x7f: {  	_ =	shalt  }
0x80: {  	_ =	shalt  }
0x81: {  	_ =	shalt  }
0x82: {  	_ =	shalt  }
0x83: {  	_ =	shalt  }
0x84: {  	_ =	shalt  }
0x85: {  	_ =	shalt  }
0x86: {  	_ =	shalt  }
0x87: {  	_ =	shalt  }
.Lfunc_end0:
.L_simem_size_0:
called_computation.3_lowered:
.L_overlay_start_0:
0x88: {  	s2 =	sld [smem:$0x3FD9]  }
0x89: {  	s3 =	sld [smem:$0x3FFE];
	_ =	sdelay $0x1  }
0x8a: {  	s1 =	srdreg.scid  }
0x8b: {  	s0 =	sand.u32 $0x1, s1  }
0x8c: {  	s16 =	sshll.u32 s0, $0xA;
	s2 =	sadd.s32 s3, s2  }
0x8d: {  	s2 =	sadd.s32 s2, s16  }
0x8e: {  	[smem:$0x3FB4] =	sst s2  }
0x8f: {  	_ = 	snop  }
0x90: {  	(tm) =	ssettm $0x1  }
0x91: {  	s17 =	sld [smem:$0x3FFB];
	_ =	sdelay $0x3  }
0x92: {  	_ =	strace s17  }
0x93: {  	s2 =	sld [smem:$0x3FFC];
	_ =	sdelay $0x3  }
0x94: {  	_ =	strace s2  }
0x95: {  	s2 =	sld [smem:$0x3FFD];
	_ =	sdelay $0x3  }
0x96: {  	_ =	strace s2  }
0x97: {  	_ =	strace $0x8FFFFFFF  }
0x98: {  	s18 =	sld [smem:$0x3FDB];
	_ =	sdelay $0x1  }
0x99: {  	s19 =	simm.s32 $_scs_section_size  }
0x9a: {  	s4 =	simm.s32 $_size__tile_overlayer_lowered;
	s5 =	simm.s32 $_tile_overlayer_lowered  }
0x9b: {  	s22 =	simm.s32 $0x1BFF;
	s21 =	sshll.u32 s5, $0x1;
	s2 =	sadd.s32 s19, s18  }
0x9c: {  	s6 =	simm.s32 $0x0;
	s20 =	sshll.u32 s4, $0x1;
	s4 =	sadd.s32 s21, s2  }
0x9d: {  	[timem:s6], [sflag:s22] =	dma.local [hbm:s4], s20  }
0x9e: {  	_ =	swait.ge [sflag:s22], s20  }
0x9f: {  	s3 =	ssub.s32 $0x0, s20;
	[sflag:s22] =	ssyncset.done $0x0  }
0xa0: {  	[sflag:s22] =	ssyncadd.s32 s3;
	_ =	sdelay $0x1  }
0xa1: {  	s23 =	simm.s32 $0x1B8B  }
0xa2: {  	_ =	swait.ge [sflag:s23], $0x1  }
0xa3: {  	[sflag:s23] =	ssyncset.done $0x0  }
0xa4: {  	s25 =	simm.s32 $0x1B8E;
	s24 =	sld [smem:$0x3FFE];
	[sflag:s23] =	ssyncadd.s32 $0xFFFFFFFF  }
0xa5: {  	s26 =	simm.s32 $execute0_lowered;
	[smem:$0x3FD2] =	sst s25  }
0xa6: {  	s4 =	sshll.u32 s26, $0x1;
	_ =	strace $0x8000004F;
	[dreg:$0x1] =	wrdreg $0xFFFFFFFF  }
0xa7: {  	s28 =	simm.s32 $_size_execute0_lowered;
	s2 =	sadd.s32 s2, s4;
	[dreg:$0x0] =	wrdreg $0x0  }
0xa8: {  	s4 =	sshll.u32 s28, $0x1;
	[dreg:$0x2] =	wrdreg s2  }
0xa9: {  	[dreg:$0x3] =	wrdreg s4  }
0xaa: {  	[dreg:$0x4] =	wrdreg $0xC0  }
0xab: {  	_ =	task [dreg:s6], $0x5FFFF  }
0xac: {  	[dreg:$0x1] =	wrdreg $0xFFFFFFFF  }
0xad: {  	[dreg:$0x0] =	wrdreg $0x60  }
0xae: {  	[dreg:$0x2] =	wrdreg s24  }
0xaf: {  	[dreg:$0x3] =	wrdreg $0x13A80  }
0xb0: {  	[dreg:$0x4] =	wrdreg $0x9  }
0xb1: {  	_ =	task.clear_ibuf [dreg:s6], $0x5FFFF;
	_ =	strace $0x9000004F  }
0xb2: {  	s29 =	simm.s32 $0x9;
	_ =	strace $0x80000051  }
0xb3: {  	_ =	swait.ge [sflag:s29], $0x1  }
0xb4: {  	[sflag:s29] =	ssyncadd.s32 $0xFFFFFFFF  }
0xb5: {  	_ =	strace $0x90000051  }
0xb6: {  	_ =	sfence  }
0xb7: {  	s30 =	sld [smem:$0x0];
	_ =	sdelay $0x2  }
0xb8: {  	s31 =	sshll.u32 s1, $0xD;
	s1 =	sshrl.u32 s1, $0x2  }
0xb9: {  	s3 =	sand.u32 $0x4000, s31;
	s1 =	sadd.s32 s1, s30  }
0xba: {  	s0 =	sor.u32 s3, s0;
	s1 =	sshll.u32 s1, $0x11  }
0xbb: {  	s0 =	sor.u32 s1, s0  }
0xbc: {  	s0 =	sadd.s32 $0x8F2B, s0  }
0xbd: {  	[sflag:s0] =	ssyncadd.remote.s32 $0x1  }
0xbe: {  	_ =	sfence.sel $0xFFFF  }
0xbf: {  	[dreg:$0x0] =	wrdreg $0xFFFFFFFF;
	(pc) =	sbr.abs _section_cstart, $3  }
0xc0: {  	[dreg:$0x1] =	wrdreg $0xFFFFFFFF  }
0xc1: {  	_ =	task.clear_ibuf [dreg:s6], $0x2FFFF;
	_ =	strace $0x9FFFFFFF  }
0xc2: {  	(tm) =	ssettm $0x7FFFFFFF  }
0xc3: {  	_ =	shalt  }
tec
execute0_lowered:
.L_overlay_start_1:
0x0: {  	(tag) =	ssettag $0x1  }
0x1: {  	s0 =	rddreg [dreg:$0x0]  }
0x2: {  	s1 =	rddreg [dreg:$0x1];
	s2 =	simm.s32 $0x0;
	s3 =	srdreg.scid  }
0x3: {  	s25 =	stileid.u32;
	s28 =	simm.s32 $0xEE0;
	s29 =	simm.s32 $0xF28  }
0x4: {  	s31 =	simm.s32 $0x0;
	[smem:$0x7FF] =	sst s2;
	s4 =	sadd.s32 $0xD600, s0  }
0x5: {  	s6 =	sand.u32 $0x1, s3;
	s3 =	sadd.s32 $0x8600, s0;
	s7 =	sadd.s32 $0x5B800, s0  }
0x6: {  	s17 =	smul.u32 $0x9C40, s25;
	s8 =	sshll.u32 s25, $0x1;
	s19 =	sshll.u32 s25, $0x6  }
0x7: {  	s11 =	smul.u32 $0x2710, s25;
	p0 =	sne.s32 s25, $0x0;
	s25 =	simm.s32 $0x2  }
0x8: {  	_ =	strace $0x80000050;
	s5 =	smul.u32 $0x4E20, s6;
	[dreg:$0x3] =	wrdreg s7  }
0x9: {  	s18 =	ssub.s32 $0x2, s6;
	s8 =	sor.u32 s6, s8;
	s6 =	smul.u32 $0x1388, s6  }
0xa: {  	s9 =	sshrl.u32 s18, $0x1;
	s7 =	sshrl.u32 s17, $0x2;
	s10 =	smul.u32 $0x1388, s8  }
0xb: {  	s8 =	smul.u32 $0x2710, s8;
	s0 =	sadd.s32 s5, s0;
	s13 =	ssub.s32 s18, s9  }
0xc: {  	s18 =	sadd.s32 s7, s1;
	s5 =	sor.u32 $0x1C05, s19;
	s6 =	sadd.s32 s6, s11  }
0xd: {  	s19 =	simm.s32 $0x5;
	s20 =	sshrl.u32 s10, $0x3;
	s21 =	sadd.s32 $0x70, s10  }
0xe: {  	s22 =	sadd.s32 s4, s8;
	s12 =	sadd.s32 $0x1340, s10;
	s14 =	sadd.s32 $0x150, s6  }
0xf: {  	s13 =	smax.u32 s13, $0x1;
	s18 =	sshrl.u32 s18, $0x3;
	s7 =	sadd.s32 s3, s20  }
0x10: {  	[dreg:$0x5] =	wrdreg s22;
	s23 =	sshrl.u32 s21, $0x3;
	s9 =	sshll.u32 s21, $0x1  }
0x11: {  	s10 =	sshrl.u32 s12, $0x3;
	s24 =	sshll.u32 s12, $0x1;
	s12 =	sadd.s32 $0x5BE00, s0  }
0x12: {  	s26 =	sshrl.u32 s14, $0x3;
	s14 =	sadd.s32 $0xE0, s6;
	s20 =	simm.s32 $0xE0  }
0x13: {  	s21 =	simm.s32 $0x70;
	s22 =	simm.s32 $0x7E0;
	[dreg:$0x4] =	wrdreg s7  }
0x14: {  	s8 =	sadd.s32 s3, s23;
	s9 =	sadd.s32 s4, s9;
	s10 =	sadd.s32 s3, s10  }
0x15: {  	s11 =	sadd.s32 s4, s24;
	s15 =	sshll.u32 s26, $0x4;
	s16 =	sadd.s32 s26, s3  }
0x16: {  	s30 =	sshll.u32 s14, $0x1;
	s23 =	simm.s32 $0x1;
	s24 =	simm.s32 $0x3  }
0x17: {  	s26 =	simm.s32 $0x4;
	s15 =	sadd.s32 s15, s4;
	s17 =	sadd.s32 s30, s4  }
.LBB2_1:
0x18: {  	s0 =	rddreg [dreg:$0x3]  }
0x19: {  	[spmem:s18], [sflag:s5] =	dma.local [hbm:s0], $0x4E2  }
0x1a: {  	_ =	swait.ge [sflag:s19], $0x4E2  }
0x1b: {  	[sflag:s19] =	ssyncset.done $0x0  }
0x1c: {  	[sflag:s19] =	ssyncadd.s32 $0xFFFFFB1E  }
0x1d: {  	[bflag:$0x0] =	sbarrier.arrive $0xFFFF  }
0x1e: {  	s7 =	rddreg [dreg:$0x4]  }
0x1f: {  	[tilespmem:s2], [sflag:$0x1] =	stream.linear.gather [hbm4b:s7+s2], $0x70, $0x38;
	[tilespmem:$0x3AB8] =	vst v63  }
0x20: {  	s4 =	rddreg [dreg:$0x5]  }
0x21: {  	[tilespmem:s20], [sflag:$0x3] =	stream.linear.gather [hbm4b:s4+s2], $0x700, $0x38;
	[tilespmem:$0x3AB8] =	vst v63  }
0x22: {  	_ = 	snop  }
0x23: {  	[tilespmem:s21], [sflag:$0x2] =	stream.linear.gather [hbm4b:s8+s2], $0x70, $0x38;
	[tilespmem:$0x3AB8] =	vst v63  }
0x24: {  	_ = 	snop  }
0x25: {  	[tilespmem:s22], [sflag:$0x4] =	stream.linear.gather [hbm4b:s9+s2], $0x700, $0x38;
	[tilespmem:$0x3AB8] =	vst v63  }
0x26: {  	_ =	swait.ge [sflag:s23], $0x70  }
0x27: {  	[sflag:s23] =	ssyncset.done $0x0  }
0x28: {  	[sflag:s23] =	ssyncadd.s32 $0xFFFFFF90  }
0x29: {  	_ =	swait.ge [sflag:s24], $0x700  }
0x2a: {  	[sflag:s24] =	ssyncset.done $0x0  }
0x2b: {  	[sflag:s24] =	ssyncadd.s32 $0xFFFFF900  }
0x2c: {  	[spmem:s1] =	stream.indirect.scatter.add.f32 [tilespmem:s20], [sflag:$0x5], $0x10, s2, s21, $0xb8;
	[tilespmem:$0x3AB8] =	vst v63  }
0x2d: {  	_ =	swait.ge [sflag:s19], $0x700  }
0x2e: {  	s6 =	sshrl.u32 s14, $0x3;
	[sflag:s19] =	ssyncset.done $0x0  }
0x2f: {  	s0 =	sadd.s32 s3, s6;
	[sflag:s19] =	ssyncadd.s32 $0xFFFFF900  }
0x30: {  	[tilespmem:s2], [sflag:$0x1] =	stream.linear.gather [hbm4b:s0+s2], $0x70, $0x38;
	[tilespmem:$0x3AB8] =	vst v63  }
0x31: {  	s7 =	sadd.s32 $0x0, s17  }
0x32: {  	[tilespmem:s20], [sflag:$0x3] =	stream.linear.gather [hbm4b:s7+s2], $0x700, $0x38;
	[tilespmem:$0x3AB8] =	vst v63  }
0x33: {  	_ =	swait.ge [sflag:s25], $0x70  }
0x34: {  	[sflag:s25] =	ssyncset.done $0x0  }
0x35: {  	[sflag:s25] =	ssyncadd.s32 $0xFFFFFF90  }
0x36: {  	_ =	swait.ge [sflag:s26], $0x700  }
0x37: {  	[sflag:s26] =	ssyncset.done $0x0  }
0x38: {  	[sflag:s26] =	ssyncadd.s32 $0xFFFFF900  }
0x39: {  	[spmem:s1] =	stream.indirect.scatter.add.f32 [tilespmem:s22], [sflag:$0x5], $0x10, s21, s21, $0xb8;
	[tilespmem:$0x3AB8] =	vst v63  }
0x3a: {  	_ =	swait.ge [sflag:s19], $0x700  }
0x3b: {  	s30 =	sadd.s32 $0x1C, s16;
	s6 =	sadd.s32 $0x0, s15;
	[sflag:s19] =	ssyncset.done $0x0  }
0x3c: {  	s4 =	sadd.s32 $0xE0, s14;
	s0 =	simm.s32 $0x1C0;
	[sflag:s19] =	ssyncadd.s32 $0xFFFFF900  }
0x3d: {  	[tilespmem:s21], [sflag:$0x2] =	stream.linear.gather [hbm4b:s16+s2], $0x70, $0x38;
	[tilespmem:$0x3AB8] =	vst v63  }
.LBB2_2:
0x3e: {  	[tilespmem:s22], [sflag:$0x4] =	stream.linear.gather [hbm4b:s6+s2], $0x700, $0x38;
	[tilespmem:$0x3AB8] =	vst v63  }
0x3f: {  	s6 =	smov.u32 s0  }
0x40: {  	p1 =	sne.s32 s0, $0x2300;
	s0 =	sadd.s32 $0x1C0, s0;
	_ =	swait.ge [sflag:s23], $0x70  }
0x41: {  	[sflag:s23] =	ssyncset.done $0x0  }
0x42: {  	[sflag:s23] =	ssyncadd.s32 $0xFFFFFF90  }
0x43: {  	_ =	swait.ge [sflag:s24], $0x700  }
0x44: {  	[sflag:s24] =	ssyncset.done $0x0  }
0x45: {  	[sflag:s24] =	ssyncadd.s32 $0xFFFFF900  }
0x46: {  	[spmem:s1] =	stream.indirect.scatter.add.f32 [tilespmem:s20], [sflag:$0x5], $0x10, s2, s21, $0xb8;
	[tilespmem:$0x3AB8] =	vst v63  }
0x47: {  	_ =	swait.ge [sflag:s19], $0x700  }
0x48: {  	s7 =	sshrl.u32 s4, $0x3;
	[sflag:s19] =	ssyncset.done $0x0  }
0x49: {  	s7 =	sadd.s32 s3, s7;
	[sflag:s19] =	ssyncadd.s32 $0xFFFFF900  }
0x4a: {  	[tilespmem:s2], [sflag:$0x1] =	stream.linear.gather [hbm4b:s7+s2], $0x70, $0x38;
	[tilespmem:$0x3AB8] =	vst v63  }
0x4b: {  	s7 =	sadd.s32 s6, s17  }
0x4c: {  	[tilespmem:s20], [sflag:$0x3] =	stream.linear.gather [hbm4b:s7+s2], $0x700, $0x38;
	[tilespmem:$0x3AB8] =	vst v63  }
0x4d: {  	_ =	swait.ge [sflag:s25], $0x70  }
0x4e: {  	[sflag:s25] =	ssyncset.done $0x0  }
0x4f: {  	[sflag:s25] =	ssyncadd.s32 $0xFFFFFF90  }
0x50: {  	_ =	swait.ge [sflag:s26], $0x700  }
0x51: {  	[sflag:s26] =	ssyncset.done $0x0  }
0x52: {  	[sflag:s26] =	ssyncadd.s32 $0xFFFFF900  }
0x53: {  	[spmem:s1] =	stream.indirect.scatter.add.f32 [tilespmem:s22], [sflag:$0x5], $0x10, s21, s21, $0xb8;
	[tilespmem:$0x3AB8] =	vst v63  }
.Ltmp0:
0x54: {  	_ =	swait.ge [sflag:s19], $0x700;
	(pc) =	sbr.rel @p1 .LBB2_2-.Ltmp0, $4  }
0x55: {  	[sflag:s19] =	ssyncset.done $0x0  }
0x56: {  	[sflag:s19] =	ssyncadd.s32 $0xFFFFF900  }
0x57: {  	[tilespmem:s21], [sflag:$0x2] =	stream.linear.gather [hbm4b:s30+s2], $0x70, $0x38;
	[tilespmem:$0x3AB8] =	vst v63  }
0x58: {  	s4 =	sadd.s32 $0xE0, s4;
	s6 =	sadd.s32 s6, s15;
	s30 =	sadd.s32 $0x1C, s30  }
0x59: {  	[tilespmem:s22], [sflag:$0x4] =	stream.linear.gather [hbm4b:s6+s2], $0x700, $0x38;
	[tilespmem:$0x3AB8] =	vst v63  }
0x5a: {  	_ =	swait.ge [sflag:s23], $0x70  }
0x5b: {  	[sflag:s23] =	ssyncset.done $0x0  }
0x5c: {  	[sflag:s23] =	ssyncadd.s32 $0xFFFFFF90  }
0x5d: {  	_ =	swait.ge [sflag:s24], $0x700  }
0x5e: {  	[sflag:s24] =	ssyncset.done $0x0  }
0x5f: {  	[sflag:s24] =	ssyncadd.s32 $0xFFFFF900  }
0x60: {  	[spmem:s1] =	stream.indirect.scatter.add.f32 [tilespmem:s20], [sflag:$0x5], $0x10, s2, s21, $0xb8;
	[tilespmem:$0x3AB8] =	vst v63  }
0x61: {  	_ =	swait.ge [sflag:s19], $0x700  }
0x62: {  	[sflag:s19] =	ssyncset.done $0x0  }
0x63: {  	[sflag:s19] =	ssyncadd.s32 $0xFFFFF900  }
0x64: {  	_ =	swait.ge [sflag:s25], $0x70  }
0x65: {  	[sflag:s25] =	ssyncset.done $0x0  }
0x66: {  	[sflag:s25] =	ssyncadd.s32 $0xFFFFFF90  }
0x67: {  	_ =	swait.ge [sflag:s26], $0x700  }
0x68: {  	[sflag:s26] =	ssyncset.done $0x0  }
0x69: {  	[sflag:s26] =	ssyncadd.s32 $0xFFFFF900  }
0x6a: {  	[spmem:s1] =	stream.indirect.scatter.add.f32 [tilespmem:s22], [sflag:$0x5], $0x10, s21, s21, $0xb8;
	[tilespmem:$0x3AB8] =	vst v63  }
0x6b: {  	_ =	swait.ge [sflag:s19], $0x700  }
0x6c: {  	[sflag:s19] =	ssyncset.done $0x0  }
0x6d: {  	[sflag:s19] =	ssyncadd.s32 $0xFFFFF900  }
0x6e: {  	[tilespmem:s28], [sflag:$0x5] =	stream.linear.gather [hbm4b:s10+s2], $0x48, $0x38;
	[tilespmem:$0x3AB8] =	vst v63  }
0x6f: {  	_ =	swait.ge [sflag:s19], $0x48  }
0x70: {  	[sflag:s19] =	ssyncset.done $0x0  }
0x71: {  	[sflag:s19] =	ssyncadd.s32 $0xFFFFFFB8  }
0x72: {  	[tilespmem:s29], [sflag:$0x5] =	stream.linear.gather [hbm4b:s11+s2], $0x480, $0x38;
	[tilespmem:$0x3AB8] =	vst v63  }
0x73: {  	_ =	swait.ge [sflag:s19], $0x480  }
0x74: {  	[sflag:s19] =	ssyncset.done $0x0  }
0x75: {  	s0 =	simm.s32 $0x48;
	[sflag:s19] =	ssyncadd.s32 $0xFFFFFB80  }
0x76: {  	[spmem:s1] =	stream.indirect.scatter.add.f32 [tilespmem:s29], [sflag:$0x5], $0x10, s28, s0, $0xb8;
	[tilespmem:$0x3AB8] =	vst v63  }
0x77: {  	_ =	swait.ge [sflag:s19], $0x480  }
0x78: {  	[sflag:s19] =	ssyncset.done $0x0  }
0x79: {  	s31 =	sadd.s32 $0x1, s31;
	[sflag:s19] =	ssyncadd.s32 $0xFFFFFB80  }
0x7a: {  	p1 =	sne.s32 s31, s13;
	s0 =	sshrl.u32 @!p0 s1, $0x3;
	[bflag:$0x0] =	sbarrier.arrive $0xFFFF  }
0x7b: {  	[hbm:s12], [sflag:s5] =	dma.local @!p0 [spmem:s0], $0x4E20  }
.Ltmp1:
0x7c: {  	_ = 	snop;
	(pc) =	sbr.rel @p1 .LBB2_1-.Ltmp1, $4  }
0x7d: {  	s0 =	simm.s32 @!p0 $0x5  }
0x7e: {  	_ =	swait.ge @!p0 [sflag:s0], $0x4E20  }
0x7f: {  	[sflag:s0] =	ssyncset.done @!p0 $0x0  }
0x80: {  	[sflag:s0] =	ssyncadd.s32 @!p0 $0xFFFFB1E0  }
0x81: {  	_ =	sfence.sel $0x180000  }
0x82: {  	[bflag:$0x0] =	sbarrier.arrive $0xFFFF  }
0x83: {  	_ =	strace $0x90000050  }
0x84: {  	[bflag:$0x2] =	sbarrier.arrive $0xFFFF  }
0x85: {  	s0 =	rddreg [dreg:$0x2]  }
0x86: {  	s0 =	sadd.s32 @!p0 $0x100000, s0  }
0x87: {  	[sflag:s0] =	ssyncadd.tile.s32 @!p0 $0x1;
	_ =	shalt  }
.Lfunc_end2:
_tile_overlayer_lowered:
.L_overlay_start_2:
0x88: {  	(tag) =	ssettag $0x2  }
0x89: {  	s0 =	rddreg [dreg:$0x0];
	s2 =	stileid.u32  }
0x8a: {  	s1 =	rddreg [dreg:$0x1];
	p0 =	sne.s32 s2, $0x0  }
0x8b: {  	s3 =	rddreg [dreg:$0x2];
	[bflag:$0x3] =	sbarrier.arrive $0xFFFF;
	s2 =	simm.s32 @!p0 $0x1C05  }
0x8c: {  	[timem:s3], [sflag:s2] =	dma.local @!p0 [hbm:s0], s1  }
0x8d: {  	s0 =	simm.s32 @!p0 $0x5  }
0x8e: {  	_ =	swait.ge @!p0 [sflag:s0], s1  }
0x8f: {  	s1 =	ssub.s32 @!p0 $0x0, s1;
	[sflag:s0] =	ssyncset.done @!p0 $0x0  }
0x90: {  	[sflag:s0] =	ssyncadd.s32 @!p0 s1  }
0x91: {  	[bflag:$0x3] =	sbarrier.arrive $0xFFFF  }
0x92: {  	_ =	shalt  }

</sc_bundles>
